<compile_context>
chip_gen: v7x
topology: tpu7x:2x2x1
jax: 0.10.2.dev20260603
libtpu: 0.0.44.dev20260713+nightly
codegen_flags: <defaults>
</compile_context>

<pallas_src>
import functools

import jax
import jax.numpy as jnp
from jax import lax
from jax.experimental import pallas as pl
from jax.experimental.pallas import tpu as pltpu
from jax.experimental.pallas import tpu_sc as plsc

_B, _N = 32, 8192
_KF = 64.0
_LN_K = 4.158883
_L = 16
_U = 8
_STEP = _L * _U
_ITERS = _N // _STEP
_HALF_ITERS = _ITERS // 2
_H = _N // 2

_mesh = plsc.VectorSubcoreMesh(core_axis_name="c", subcore_axis_name="s")


def _approx_log(f):
    bits = lax.bitcast_convert_type(f, jnp.int32)
    e = (jnp.right_shift(bits, 23) & 0xFF) - 127
    m = lax.bitcast_convert_type((bits & 0x7FFFFF) | 0x3F800000,
                                 jnp.float32)
    t = m - 1.0
    p = ((((-5.48628529e-02) * t + 2.16410438e-01) * t
          + (-4.64072580e-01)) * t + 9.95427338e-01) * t + 1.41512175e-04
    return 0.69314718 * e.astype(jnp.float32) + p


def _lane_all_reduce(v, op):
    lane = lax.iota(jnp.int32, _L)
    dnums = lax.GatherDimensionNumbers(
        offset_dims=(), collapsed_slice_dims=(0,), start_index_map=(0,))
    for k in (1, 2, 4, 8):
        perm = (lane ^ k).reshape(_L, 1)
        v = op(v, lax.gather(v, perm, dnums, (1,),
                             mode=lax.GatherScatterMode.PROMISE_IN_BOUNDS))
    return v


def _tree_reduce(vals, op):
    vals = list(vals)
    while len(vals) > 1:
        vals = [op(vals[i], vals[i + 1]) for i in range(0, len(vals) - 1, 2)] \
            + ([vals[-1]] if len(vals) % 2 else [])
    return vals[0]


@functools.partial(
    pl.kernel,
    out_type=jax.ShapeDtypeStruct((_B, _N), jnp.float32),
    mesh=_mesh,
    scratch_types=[pltpu.VMEM((_N,), jnp.float32),
                   pltpu.SemaphoreType.DMA, pltpu.SemaphoreType.DMA],
)
def _binnorm_sc(x_hbm, y_hbm, row_v, sem_a, sem_b):
    num_cores = lax.axis_size("c")
    row = lax.axis_index("s") * num_cores + lax.axis_index("c")
    cp_a = pltpu.async_copy(x_hbm.at[row, pl.ds(0, _H)],
                            row_v.at[pl.ds(0, _H)], sem_a)
    cp_b = pltpu.async_copy(x_hbm.at[row, pl.ds(_H, _H)],
                            row_v.at[pl.ds(_H, _H)], sem_b)

    def stats_body(i, carry):
        base = i * _STEP
        new = []
        for u, (mx, mn, se) in enumerate(carry):
            sl = pl.ds(base + u * _L, _L)
            v = row_v[sl]
            w = jnp.exp(v)
            row_v[sl] = w
            new.append((jnp.maximum(mx, v), jnp.minimum(mn, v), se + w))
        return tuple(new)

    cp_a.wait()
    neg_inf = jnp.full((_L,), -jnp.inf, jnp.float32)
    init = ((neg_inf, -neg_inf, jnp.zeros((_L,), jnp.float32)),) * _U
    stats = lax.fori_loop(0, _HALF_ITERS, stats_body, init)
    cp_b.wait()
    stats = lax.fori_loop(_HALF_ITERS, _ITERS, stats_body, stats)
    vmax = _tree_reduce([s[0] for s in stats], jnp.maximum)
    vmin = _tree_reduce([s[1] for s in stats], jnp.minimum)
    vsum = _tree_reduce([s[2] for s in stats], jnp.add)
    lo = -_lane_all_reduce(vmax, jnp.maximum) - 6.0
    hi = -_lane_all_reduce(vmin, jnp.minimum)
    sum_exp = _lane_all_reduce(vsum, jnp.add)
    nu = jnp.clip(_LN_K - _approx_log(sum_exp), lo, hi)
    g_lo = jnp.full((_L,), -64.0, jnp.float32)
    g_hi = jnp.full((_L,), 4032.0, jnp.float32)

    def newton_body(_, carry):
        lo, hi, g_lo, g_hi, nu = carry
        c = jnp.exp(-nu)

        def sum_body(i, accs):
            base = i * _STEP
            new = []
            for u, (s_acc, q_acc) in enumerate(accs):
                w = row_v[pl.ds(base + u * _L, _L)]
                s = w / (w + c)
                new.append((s_acc + s, q_acc + s * s))
            return tuple(new)

        z = jnp.zeros((_L,), jnp.float32)
        accs = lax.fori_loop(0, _ITERS, sum_body, ((z, z),) * _U)
        g = _lane_all_reduce(_tree_reduce([a[0] for a in accs], jnp.add),
                             jnp.add) - _KF
        d = g + _KF - _lane_all_reduce(
            _tree_reduce([a[1] for a in accs], jnp.add), jnp.add)
        below = g < 0.0
        lo2 = jnp.where(below, nu, lo)
        hi2 = jnp.where(below, hi, nu)
        g_lo2 = jnp.where(below, g, g_lo)
        g_hi2 = jnp.where(below, g_hi, g)
        nu_newton = nu - g / d
        secant = (lo2 * g_hi2 - hi2 * g_lo2) / (g_hi2 - g_lo2)
        inside = (nu_newton >= lo2) & (nu_newton <= hi2)
        nu2 = jnp.where(inside, nu_newton, secant)
        return lo2, hi2, g_lo2, g_hi2, nu2

    lo, hi, g_lo, g_hi, nu = newton_body(0, (lo, hi, g_lo, g_hi, nu))
    c_out = jnp.exp(-nu)

    def out_body(i, carry):
        base = i * _STEP
        for u in range(_U):
            sl = pl.ds(base + u * _L, _L)
            w = row_v[sl]
            row_v[sl] = w / (w + c_out)
        return carry

    lax.fori_loop(0, _HALF_ITERS, out_body, 0)
    st_a = pltpu.async_copy(row_v.at[pl.ds(0, _H)],
                            y_hbm.at[row, pl.ds(0, _H)], sem_a)
    lax.fori_loop(_HALF_ITERS, _ITERS, out_body, 0)
    st_b = pltpu.async_copy(row_v.at[pl.ds(_H, _H)],
                            y_hbm.at[row, pl.ds(_H, _H)], sem_b)
    st_a.wait()
    st_b.wait()


def kernel(x):
    return _binnorm_sc(x)

# --- scband reference (transcript-rebuilt; emitter-appended) ---
"""Pipeline reference for scband-bin-norm-train-86775519248464 (READ-ONLY COPY).

The authoritative reference and input builder live on the scoring server;
editing this copy changes nothing except your own understanding.
"""

import jax, jax.numpy as jnp
import numpy as np

K = 64
EPS = 1e-4
N_ITERS = 10
BRANCH = 60
DELTA = 7.0  # activation is 'sigmoid' (not 'soft_sigmoid'), so delta = 7.0
B, N = 32, 8192


def setup_inputs(seed: int = 0) -> dict:
    key = jax.random.key(seed)
    x = jax.random.normal(key, (B, N), dtype=jnp.float32)
    return {"x": x}


def _binnorm_forward(x):
    ls = jnp.linspace(0.0, 1.0, BRANCH)
    # tf.sort(..., direction='DESCENDING')
    x_sorted = -jnp.sort(-x, axis=-1)
    nu_lower = -x_sorted[:, K - 1] - DELTA
    nu_upper = -x_sorted[:, K] + DELTA
    r = nu_upper - nu_lower
    for _ in range(N_ITERS):
        r = nu_upper - nu_lower
        I = r > EPS
        n_update = jnp.sum(I.astype(jnp.int32))

        def identity(args):
            nl, nu_ = args
            return nl, nu_

        def rest(args):
            nl, nu_ = args
            nus = r[:, None] * ls[None, :] + nl[:, None]            # [B, branch]
            _xs = x[:, None, :] + nus[:, :, None]                    # [B, branch, N]
            fs = jax.nn.sigmoid(_xs)
            fs = jnp.sum(fs, axis=-1) - K                            # [B, branch]
            fs = jnp.sum((fs < 0).astype(jnp.int32), axis=-1)        # [B]
            i_lower = fs - 1
            J = i_lower < 0
            i_lower = jnp.where(J, 0, i_lower)
            i_upper = i_lower + 1
            nusg_lower = jnp.take_along_axis(nus, i_lower[:, None], axis=1, mode="clip")[:, 0]
            nl2 = jnp.where(I, nusg_lower, nl)
            nusg_upper = jnp.take_along_axis(nus, i_upper[:, None], axis=1, mode="clip")[:, 0]
            nu2 = jnp.where(I, nusg_upper, nu_)
            nl2 = jnp.where(J, nl2 - DELTA, nl2)
            return nl2, nu2

        nu_lower, nu_upper = jax.lax.cond(n_update == 0, identity, rest, (nu_lower, nu_upper))
    nu = nu_lower + r / 2.0
    y = jax.nn.sigmoid(x + nu[:, None])
    return y


def reference(x):
    return _binnorm_forward(x)

if __name__ == "__main__":
    import jax
    _d = setup_inputs()
    print(jax.jit(kernel)(*tuple(_d.values())))

</pallas_src>

<mosaic_0001>
#map = affine_map<(d0, d1) -> (0, 0)>
module attributes {stable_mosaic.version = 14 : i64} {
  func.func @_binnorm_sc(%arg0: i32, %arg1: i32, %arg2: memref<32x8192xf32, #tpu.memory_space<hbm>>, %arg3: memref<32x8192xf32, #tpu.memory_space<hbm>>, %arg4: memref<8192xf32, #tpu.memory_space<vmem>>, %arg5: memref<!tpu.dma_semaphore, #tpu.memory_space<semaphore_mem>>, %arg6: memref<!tpu.dma_semaphore, #tpu.memory_space<semaphore_mem>>) attributes {dimension_semantics = [#tpu.dimension_semantics<core_parallel>, #tpu.dimension_semantics<subcore_parallel>], iteration_bounds = array<i64: 2, 16>, scalar_prefetch = 0 : i64, scratch_operands = 3 : i64, tpu.core_type = #tpu.core_type<sc_vector_subcore>, window_params = [{transform_indices = #map}, {transform_indices = #map}]} {
    %mul3A = arith.constant 2 : i32
    %mul3A_0 = arith.muli %arg1, %mul3A : i32
    %add3A = arith.addi %mul3A_0, %arg0 : i32
    %dma_start3A = arith.constant 0 : i32
    %dma_start3A_1 = tpu.memref_slice %arg4[%dma_start3A] : memref<8192xf32, #tpu.memory_space<vmem>> -> memref<4096xf32, #tpu.memory_space<vmem>>
    %dma_start3A_2 = arith.constant 0 : i32
    %dma_start3A_3 = tpu.memref_slice %arg2[%add3A, %dma_start3A_2] : memref<32x8192xf32, #tpu.memory_space<hbm>> -> memref<1x4096xf32, #tpu.memory_space<hbm>>
    %dma_start3A_4 = tpu.memref_squeeze %dma_start3A_3 : memref<1x4096xf32, #tpu.memory_space<hbm>> -> memref<4096xf32, #tpu.memory_space<hbm>>
    %dma_start3A_5 = arith.constant 0 : i32
    %dma_start3A_6 = tpu.memref_slice %arg4[%dma_start3A_5] : memref<8192xf32, #tpu.memory_space<vmem>> -> memref<4096xf32, #tpu.memory_space<vmem>>
    %dma_start3A_7 = arith.constant 0 : i32
    %dma_start3A_8 = tpu.memref_slice %arg2[%add3A, %dma_start3A_7] : memref<32x8192xf32, #tpu.memory_space<hbm>> -> memref<1x4096xf32, #tpu.memory_space<hbm>>
    %dma_start3A_9 = tpu.memref_squeeze %dma_start3A_8 : memref<1x4096xf32, #tpu.memory_space<hbm>> -> memref<4096xf32, #tpu.memory_space<hbm>>
    tpu.enqueue_dma source(%dma_start3A_9 : memref<4096xf32, #tpu.memory_space<hbm>>) target(%dma_start3A_6 : memref<4096xf32, #tpu.memory_space<vmem>>) target_semaphore(%arg5 : memref<!tpu.dma_semaphore, #tpu.memory_space<semaphore_mem>>)
    %dma_start3A_10 = arith.constant 4096 : i32
    %dma_start3A_11 = tpu.memref_slice %arg4[%dma_start3A_10] : memref<8192xf32, #tpu.memory_space<vmem>> -> memref<4096xf32, #tpu.memory_space<vmem>>
    %dma_start3A_12 = arith.constant 4096 : i32
    %dma_start3A_13 = tpu.memref_slice %arg2[%add3A, %dma_start3A_12] : memref<32x8192xf32, #tpu.memory_space<hbm>> -> memref<1x4096xf32, #tpu.memory_space<hbm>>
    %dma_start3A_14 = tpu.memref_squeeze %dma_start3A_13 : memref<1x4096xf32, #tpu.memory_space<hbm>> -> memref<4096xf32, #tpu.memory_space<hbm>>
    %dma_start3A_15 = arith.constant 4096 : i32
    %dma_start3A_16 = tpu.memref_slice %arg4[%dma_start3A_15] : memref<8192xf32, #tpu.memory_space<vmem>> -> memref<4096xf32, #tpu.memory_space<vmem>>
    %dma_start3A_17 = arith.constant 4096 : i32
    %dma_start3A_18 = tpu.memref_slice %arg2[%add3A, %dma_start3A_17] : memref<32x8192xf32, #tpu.memory_space<hbm>> -> memref<1x4096xf32, #tpu.memory_space<hbm>>
    %dma_start3A_19 = tpu.memref_squeeze %dma_start3A_18 : memref<1x4096xf32, #tpu.memory_space<hbm>> -> memref<4096xf32, #tpu.memory_space<hbm>>
    tpu.enqueue_dma source(%dma_start3A_19 : memref<4096xf32, #tpu.memory_space<hbm>>) target(%dma_start3A_16 : memref<4096xf32, #tpu.memory_space<vmem>>) target_semaphore(%arg6 : memref<!tpu.dma_semaphore, #tpu.memory_space<semaphore_mem>>)
    %dma_wait3A = arith.constant 0 : i32
    %dma_wait3A_20 = tpu.memref_slice %arg4[%dma_wait3A] : memref<8192xf32, #tpu.memory_space<vmem>> -> memref<4096xf32, #tpu.memory_space<vmem>>
    %dma_wait3A_21 = arith.constant 0 : i32
    %dma_wait3A_22 = tpu.memref_slice %arg2[%add3A, %dma_wait3A_21] : memref<32x8192xf32, #tpu.memory_space<hbm>> -> memref<1x4096xf32, #tpu.memory_space<hbm>>
    %dma_wait3A_23 = tpu.memref_squeeze %dma_wait3A_22 : memref<1x4096xf32, #tpu.memory_space<hbm>> -> memref<4096xf32, #tpu.memory_space<hbm>>
    %dma_wait3A_24 = arith.constant 0 : i32
    %dma_wait3A_25 = tpu.memref_slice %arg4[%dma_wait3A_24] : memref<8192xf32, #tpu.memory_space<vmem>> -> memref<4096xf32, #tpu.memory_space<vmem>>
    %dma_wait3A_26 = arith.constant 0 : i32
    %dma_wait3A_27 = tpu.memref_slice %arg2[%add3A, %dma_wait3A_26] : memref<32x8192xf32, #tpu.memory_space<hbm>> -> memref<1x4096xf32, #tpu.memory_space<hbm>>
    %dma_wait3A_28 = tpu.memref_squeeze %dma_wait3A_27 : memref<1x4096xf32, #tpu.memory_space<hbm>> -> memref<4096xf32, #tpu.memory_space<hbm>>
    tpu.wait_dma2 semaphore(%arg5 : memref<!tpu.dma_semaphore, #tpu.memory_space<semaphore_mem>>) src(%dma_wait3A_28 : memref<4096xf32, #tpu.memory_space<hbm>>) dst(%dma_wait3A_25 : memref<4096xf32, #tpu.memory_space<vmem>>)
    %broadcast_in_dim3A = arith.constant 0xFF800000 : f32
    %broadcast_in_dim3A_29 = vector.broadcast %broadcast_in_dim3A : f32 to vector<16xf32>
    %neg3A = arith.constant 0.000000e+00 : f32
    %neg3A_30 = vector.broadcast %neg3A : f32 to vector<16xf32>
    %neg3A_31 = arith.subf %neg3A_30, %broadcast_in_dim3A_29 : vector<16xf32>
    %broadcast_in_dim3A_32 = arith.constant 0.000000e+00 : f32
    %broadcast_in_dim3A_33 = vector.broadcast %broadcast_in_dim3A_32 : f32 to vector<16xf32>
    %scan3A = arith.constant 0 : i32
    %scan3A_34 = arith.constant 32 : i32
    %scan3A_35 = arith.addi %scan3A, %scan3A_34 : i32
    %scan3A_36 = arith.constant 1 : i32
    %scan3A_37:24 = scf.for %scan3A_371 = %scan3A to %scan3A_35 step %scan3A_36 iter_args(%scan3A_372 = %broadcast_in_dim3A_29, %scan3A_373 = %neg3A_31, %scan3A_374 = %broadcast_in_dim3A_33, %scan3A_375 = %broadcast_in_dim3A_29, %scan3A_376 = %neg3A_31, %scan3A_377 = %broadcast_in_dim3A_33, %scan3A_378 = %broadcast_in_dim3A_29, %scan3A_379 = %neg3A_31, %scan3A_380 = %broadcast_in_dim3A_33, %scan3A_381 = %broadcast_in_dim3A_29, %scan3A_382 = %neg3A_31, %scan3A_383 = %broadcast_in_dim3A_33, %scan3A_384 = %broadcast_in_dim3A_29, %scan3A_385 = %neg3A_31, %scan3A_386 = %broadcast_in_dim3A_33, %scan3A_387 = %broadcast_in_dim3A_29, %scan3A_388 = %neg3A_31, %scan3A_389 = %broadcast_in_dim3A_33, %scan3A_390 = %broadcast_in_dim3A_29, %scan3A_391 = %neg3A_31, %scan3A_392 = %broadcast_in_dim3A_33, %scan3A_393 = %broadcast_in_dim3A_29, %scan3A_394 = %neg3A_31, %scan3A_395 = %broadcast_in_dim3A_33) -> (vector<16xf32>, vector<16xf32>, vector<16xf32>, vector<16xf32>, vector<16xf32>, vector<16xf32>, vector<16xf32>, vector<16xf32>, vector<16xf32>, vector<16xf32>, vector<16xf32>, vector<16xf32>, vector<16xf32>, vector<16xf32>, vector<16xf32>, vector<16xf32>, vector<16xf32>, vector<16xf32>, vector<16xf32>, vector<16xf32>, vector<16xf32>, vector<16xf32>, vector<16xf32>, vector<16xf32>)  : i32 {
      %mul3A_396 = arith.constant 128 : i32
      %mul3A_397 = arith.muli %scan3A_371, %mul3A_396 : i32
      %add3A_398 = arith.constant 0 : i32
      %add3A_399 = arith.addi %mul3A_397, %add3A_398 : i32
      %get3A = arith.index_cast %add3A_399 : i32 to index
      %get3A_400 = tpu.vector_load %arg4[%get3A] {strides = array<i32>} : memref<8192xf32, #tpu.memory_space<vmem>>, vector<16xf32>,
      %get3A_401 = vector.shape_cast %get3A_400 : vector<16xf32> to vector<16xf32>
      %exp3A_402 = math.exp %get3A_401 : vector<16xf32>
      %swap3A = arith.index_cast %add3A_399 : i32 to index
      %swap3A_403 = tpu.vector_load %arg4[%swap3A] {strides = array<i32>} : memref<8192xf32, #tpu.memory_space<vmem>>, vector<16xf32>,
      %swap3A_404 = vector.shape_cast %swap3A_403 : vector<16xf32> to vector<16xf32>
      %swap3A_405 = vector.shape_cast %exp3A_402 : vector<16xf32> to vector<16xf32>
      tpu.vector_store %arg4[%swap3A], %swap3A_405 {strides = array<i32>} : memref<8192xf32, #tpu.memory_space<vmem>>, vector<16xf32>,
      %max3A_406 = arith.maximumf %scan3A_372, %get3A_401 : vector<16xf32>
      %min3A_407 = arith.minimumf %scan3A_373, %get3A_401 : vector<16xf32>
      %add3A_408 = arith.addf %scan3A_374, %exp3A_402 : vector<16xf32>
      %add3A_409 = arith.constant 16 : i32
      %add3A_410 = arith.addi %mul3A_397, %add3A_409 : i32
      %get3A_411 = arith.index_cast %add3A_410 : i32 to index
      %get3A_412 = tpu.vector_load %arg4[%get3A_411] {strides = array<i32>} : memref<8192xf32, #tpu.memory_space<vmem>>, vector<16xf32>,
      %get3A_413 = vector.shape_cast %get3A_412 : vector<16xf32> to vector<16xf32>
      %exp3A_414 = math.exp %get3A_413 : vector<16xf32>
      %swap3A_415 = arith.index_cast %add3A_410 : i32 to index
      %swap3A_416 = tpu.vector_load %arg4[%swap3A_415] {strides = array<i32>} : memref<8192xf32, #tpu.memory_space<vmem>>, vector<16xf32>,
      %swap3A_417 = vector.shape_cast %swap3A_416 : vector<16xf32> to vector<16xf32>
      %swap3A_418 = vector.shape_cast %exp3A_414 : vector<16xf32> to vector<16xf32>
      tpu.vector_store %arg4[%swap3A_415], %swap3A_418 {strides = array<i32>} : memref<8192xf32, #tpu.memory_space<vmem>>, vector<16xf32>,
      %max3A_419 = arith.maximumf %scan3A_375, %get3A_413 : vector<16xf32>
      %min3A_420 = arith.minimumf %scan3A_376, %get3A_413 : vector<16xf32>
      %add3A_421 = arith.addf %scan3A_377, %exp3A_414 : vector<16xf32>
      %add3A_422 = arith.constant 32 : i32
      %add3A_423 = arith.addi %mul3A_397, %add3A_422 : i32
      %get3A_424 = arith.index_cast %add3A_423 : i32 to index
      %get3A_425 = tpu.vector_load %arg4[%get3A_424] {strides = array<i32>} : memref<8192xf32, #tpu.memory_space<vmem>>, vector<16xf32>,
      %get3A_426 = vector.shape_cast %get3A_425 : vector<16xf32> to vector<16xf32>
      %exp3A_427 = math.exp %get3A_426 : vector<16xf32>
      %swap3A_428 = arith.index_cast %add3A_423 : i32 to index
      %swap3A_429 = tpu.vector_load %arg4[%swap3A_428] {strides = array<i32>} : memref<8192xf32, #tpu.memory_space<vmem>>, vector<16xf32>,
      %swap3A_430 = vector.shape_cast %swap3A_429 : vector<16xf32> to vector<16xf32>
      %swap3A_431 = vector.shape_cast %exp3A_427 : vector<16xf32> to vector<16xf32>
      tpu.vector_store %arg4[%swap3A_428], %swap3A_431 {strides = array<i32>} : memref<8192xf32, #tpu.memory_space<vmem>>, vector<16xf32>,
      %max3A_432 = arith.maximumf %scan3A_378, %get3A_426 : vector<16xf32>
      %min3A_433 = arith.minimumf %scan3A_379, %get3A_426 : vector<16xf32>
      %add3A_434 = arith.addf %scan3A_380, %exp3A_427 : vector<16xf32>
      %add3A_435 = arith.constant 48 : i32
      %add3A_436 = arith.addi %mul3A_397, %add3A_435 : i32
      %get3A_437 = arith.index_cast %add3A_436 : i32 to index
      %get3A_438 = tpu.vector_load %arg4[%get3A_437] {strides = array<i32>} : memref<8192xf32, #tpu.memory_space<vmem>>, vector<16xf32>,
      %get3A_439 = vector.shape_cast %get3A_438 : vector<16xf32> to vector<16xf32>
      %exp3A_440 = math.exp %get3A_439 : vector<16xf32>
      %swap3A_441 = arith.index_cast %add3A_436 : i32 to index
      %swap3A_442 = tpu.vector_load %arg4[%swap3A_441] {strides = array<i32>} : memref<8192xf32, #tpu.memory_space<vmem>>, vector<16xf32>,
      %swap3A_443 = vector.shape_cast %swap3A_442 : vector<16xf32> to vector<16xf32>
      %swap3A_444 = vector.shape_cast %exp3A_440 : vector<16xf32> to vector<16xf32>
      tpu.vector_store %arg4[%swap3A_441], %swap3A_444 {strides = array<i32>} : memref<8192xf32, #tpu.memory_space<vmem>>, vector<16xf32>,
      %max3A_445 = arith.maximumf %scan3A_381, %get3A_439 : vector<16xf32>
      %min3A_446 = arith.minimumf %scan3A_382, %get3A_439 : vector<16xf32>
      %add3A_447 = arith.addf %scan3A_383, %exp3A_440 : vector<16xf32>
      %add3A_448 = arith.constant 64 : i32
      %add3A_449 = arith.addi %mul3A_397, %add3A_448 : i32
      %get3A_450 = arith.index_cast %add3A_449 : i32 to index
      %get3A_451 = tpu.vector_load %arg4[%get3A_450] {strides = array<i32>} : memref<8192xf32, #tpu.memory_space<vmem>>, vector<16xf32>,
      %get3A_452 = vector.shape_cast %get3A_451 : vector<16xf32> to vector<16xf32>
      %exp3A_453 = math.exp %get3A_452 : vector<16xf32>
      %swap3A_454 = arith.index_cast %add3A_449 : i32 to index
      %swap3A_455 = tpu.vector_load %arg4[%swap3A_454] {strides = array<i32>} : memref<8192xf32, #tpu.memory_space<vmem>>, vector<16xf32>,
      %swap3A_456 = vector.shape_cast %swap3A_455 : vector<16xf32> to vector<16xf32>
      %swap3A_457 = vector.shape_cast %exp3A_453 : vector<16xf32> to vector<16xf32>
      tpu.vector_store %arg4[%swap3A_454], %swap3A_457 {strides = array<i32>} : memref<8192xf32, #tpu.memory_space<vmem>>, vector<16xf32>,
      %max3A_458 = arith.maximumf %scan3A_384, %get3A_452 : vector<16xf32>
      %min3A_459 = arith.minimumf %scan3A_385, %get3A_452 : vector<16xf32>
      %add3A_460 = arith.addf %scan3A_386, %exp3A_453 : vector<16xf32>
      %add3A_461 = arith.constant 80 : i32
      %add3A_462 = arith.addi %mul3A_397, %add3A_461 : i32
      %get3A_463 = arith.index_cast %add3A_462 : i32 to index
      %get3A_464 = tpu.vector_load %arg4[%get3A_463] {strides = array<i32>} : memref<8192xf32, #tpu.memory_space<vmem>>, vector<16xf32>,
      %get3A_465 = vector.shape_cast %get3A_464 : vector<16xf32> to vector<16xf32>
      %exp3A_466 = math.exp %get3A_465 : vector<16xf32>
      %swap3A_467 = arith.index_cast %add3A_462 : i32 to index
      %swap3A_468 = tpu.vector_load %arg4[%swap3A_467] {strides = array<i32>} : memref<8192xf32, #tpu.memory_space<vmem>>, vector<16xf32>,
      %swap3A_469 = vector.shape_cast %swap3A_468 : vector<16xf32> to vector<16xf32>
      %swap3A_470 = vector.shape_cast %exp3A_466 : vector<16xf32> to vector<16xf32>
      tpu.vector_store %arg4[%swap3A_467], %swap3A_470 {strides = array<i32>} : memref<8192xf32, #tpu.memory_space<vmem>>, vector<16xf32>,
      %max3A_471 = arith.maximumf %scan3A_387, %get3A_465 : vector<16xf32>
      %min3A_472 = arith.minimumf %scan3A_388, %get3A_465 : vector<16xf32>
      %add3A_473 = arith.addf %scan3A_389, %exp3A_466 : vector<16xf32>
      %add3A_474 = arith.constant 96 : i32
      %add3A_475 = arith.addi %mul3A_397, %add3A_474 : i32
      %get3A_476 = arith.index_cast %add3A_475 : i32 to index
      %get3A_477 = tpu.vector_load %arg4[%get3A_476] {strides = array<i32>} : memref<8192xf32, #tpu.memory_space<vmem>>, vector<16xf32>,
      %get3A_478 = vector.shape_cast %get3A_477 : vector<16xf32> to vector<16xf32>
      %exp3A_479 = math.exp %get3A_478 : vector<16xf32>
      %swap3A_480 = arith.index_cast %add3A_475 : i32 to index
      %swap3A_481 = tpu.vector_load %arg4[%swap3A_480] {strides = array<i32>} : memref<8192xf32, #tpu.memory_space<vmem>>, vector<16xf32>,
      %swap3A_482 = vector.shape_cast %swap3A_481 : vector<16xf32> to vector<16xf32>
      %swap3A_483 = vector.shape_cast %exp3A_479 : vector<16xf32> to vector<16xf32>
      tpu.vector_store %arg4[%swap3A_480], %swap3A_483 {strides = array<i32>} : memref<8192xf32, #tpu.memory_space<vmem>>, vector<16xf32>,
      %max3A_484 = arith.maximumf %scan3A_390, %get3A_478 : vector<16xf32>
      %min3A_485 = arith.minimumf %scan3A_391, %get3A_478 : vector<16xf32>
      %add3A_486 = arith.addf %scan3A_392, %exp3A_479 : vector<16xf32>
      %add3A_487 = arith.constant 112 : i32
      %add3A_488 = arith.addi %mul3A_397, %add3A_487 : i32
      %get3A_489 = arith.index_cast %add3A_488 : i32 to index
      %get3A_490 = tpu.vector_load %arg4[%get3A_489] {strides = array<i32>} : memref<8192xf32, #tpu.memory_space<vmem>>, vector<16xf32>,
      %get3A_491 = vector.shape_cast %get3A_490 : vector<16xf32> to vector<16xf32>
      %exp3A_492 = math.exp %get3A_491 : vector<16xf32>
      %swap3A_493 = arith.index_cast %add3A_488 : i32 to index
      %swap3A_494 = tpu.vector_load %arg4[%swap3A_493] {strides = array<i32>} : memref<8192xf32, #tpu.memory_space<vmem>>, vector<16xf32>,
      %swap3A_495 = vector.shape_cast %swap3A_494 : vector<16xf32> to vector<16xf32>
      %swap3A_496 = vector.shape_cast %exp3A_492 : vector<16xf32> to vector<16xf32>
      tpu.vector_store %arg4[%swap3A_493], %swap3A_496 {strides = array<i32>} : memref<8192xf32, #tpu.memory_space<vmem>>, vector<16xf32>,
      %max3A_497 = arith.maximumf %scan3A_393, %get3A_491 : vector<16xf32>
      %min3A_498 = arith.minimumf %scan3A_394, %get3A_491 : vector<16xf32>
      %add3A_499 = arith.addf %scan3A_395, %exp3A_492 : vector<16xf32>
      scf.yield %max3A_406, %min3A_407, %add3A_408, %max3A_419, %min3A_420, %add3A_421, %max3A_432, %min3A_433, %add3A_434, %max3A_445, %min3A_446, %add3A_447, %max3A_458, %min3A_459, %add3A_460, %max3A_471, %min3A_472, %add3A_473, %max3A_484, %min3A_485, %add3A_486, %max3A_497, %min3A_498, %add3A_499 : vector<16xf32>, vector<16xf32>, vector<16xf32>, vector<16xf32>, vector<16xf32>, vector<16xf32>, vector<16xf32>, vector<16xf32>, vector<16xf32>, vector<16xf32>, vector<16xf32>, vector<16xf32>, vector<16xf32>, vector<16xf32>, vector<16xf32>, vector<16xf32>, vector<16xf32>, vector<16xf32>, vector<16xf32>, vector<16xf32>, vector<16xf32>, vector<16xf32>, vector<16xf32>, vector<16xf32>
    }
    %scan3A_38 = arith.constant 32 : i32
    %dma_wait3A_39 = arith.constant 4096 : i32
    %dma_wait3A_40 = tpu.memref_slice %arg4[%dma_wait3A_39] : memref<8192xf32, #tpu.memory_space<vmem>> -> memref<4096xf32, #tpu.memory_space<vmem>>
    %dma_wait3A_41 = arith.constant 4096 : i32
    %dma_wait3A_42 = tpu.memref_slice %arg2[%add3A, %dma_wait3A_41] : memref<32x8192xf32, #tpu.memory_space<hbm>> -> memref<1x4096xf32, #tpu.memory_space<hbm>>
    %dma_wait3A_43 = tpu.memref_squeeze %dma_wait3A_42 : memref<1x4096xf32, #tpu.memory_space<hbm>> -> memref<4096xf32, #tpu.memory_space<hbm>>
    %dma_wait3A_44 = arith.constant 4096 : i32
    %dma_wait3A_45 = tpu.memref_slice %arg4[%dma_wait3A_44] : memref<8192xf32, #tpu.memory_space<vmem>> -> memref<4096xf32, #tpu.memory_space<vmem>>
    %dma_wait3A_46 = arith.constant 4096 : i32
    %dma_wait3A_47 = tpu.memref_slice %arg2[%add3A, %dma_wait3A_46] : memref<32x8192xf32, #tpu.memory_space<hbm>> -> memref<1x4096xf32, #tpu.memory_space<hbm>>
    %dma_wait3A_48 = tpu.memref_squeeze %dma_wait3A_47 : memref<1x4096xf32, #tpu.memory_space<hbm>> -> memref<4096xf32, #tpu.memory_space<hbm>>
    tpu.wait_dma2 semaphore(%arg6 : memref<!tpu.dma_semaphore, #tpu.memory_space<semaphore_mem>>) src(%dma_wait3A_48 : memref<4096xf32, #tpu.memory_space<hbm>>) dst(%dma_wait3A_45 : memref<4096xf32, #tpu.memory_space<vmem>>)
    %scan3A_49 = arith.constant 32 : i32
    %scan3A_50 = arith.constant 32 : i32
    %scan3A_51 = arith.addi %scan3A_49, %scan3A_50 : i32
    %scan3A_52 = arith.constant 1 : i32
    %scan3A_53:24 = scf.for %scan3A_371 = %scan3A_49 to %scan3A_51 step %scan3A_52 iter_args(%scan3A_372 = %scan3A_37#0, %scan3A_373 = %scan3A_37#1, %scan3A_374 = %scan3A_37#2, %scan3A_375 = %scan3A_37#3, %scan3A_376 = %scan3A_37#4, %scan3A_377 = %scan3A_37#5, %scan3A_378 = %scan3A_37#6, %scan3A_379 = %scan3A_37#7, %scan3A_380 = %scan3A_37#8, %scan3A_381 = %scan3A_37#9, %scan3A_382 = %scan3A_37#10, %scan3A_383 = %scan3A_37#11, %scan3A_384 = %scan3A_37#12, %scan3A_385 = %scan3A_37#13, %scan3A_386 = %scan3A_37#14, %scan3A_387 = %scan3A_37#15, %scan3A_388 = %scan3A_37#16, %scan3A_389 = %scan3A_37#17, %scan3A_390 = %scan3A_37#18, %scan3A_391 = %scan3A_37#19, %scan3A_392 = %scan3A_37#20, %scan3A_393 = %scan3A_37#21, %scan3A_394 = %scan3A_37#22, %scan3A_395 = %scan3A_37#23) -> (vector<16xf32>, vector<16xf32>, vector<16xf32>, vector<16xf32>, vector<16xf32>, vector<16xf32>, vector<16xf32>, vector<16xf32>, vector<16xf32>, vector<16xf32>, vector<16xf32>, vector<16xf32>, vector<16xf32>, vector<16xf32>, vector<16xf32>, vector<16xf32>, vector<16xf32>, vector<16xf32>, vector<16xf32>, vector<16xf32>, vector<16xf32>, vector<16xf32>, vector<16xf32>, vector<16xf32>)  : i32 {
      %mul3A_396 = arith.constant 128 : i32
      %mul3A_397 = arith.muli %scan3A_371, %mul3A_396 : i32
      %add3A_398 = arith.constant 0 : i32
      %add3A_399 = arith.addi %mul3A_397, %add3A_398 : i32
      %get3A = arith.index_cast %add3A_399 : i32 to index
      %get3A_400 = tpu.vector_load %arg4[%get3A] {strides = array<i32>} : memref<8192xf32, #tpu.memory_space<vmem>>, vector<16xf32>,
      %get3A_401 = vector.shape_cast %get3A_400 : vector<16xf32> to vector<16xf32>
      %exp3A_402 = math.exp %get3A_401 : vector<16xf32>
      %swap3A = arith.index_cast %add3A_399 : i32 to index
      %swap3A_403 = tpu.vector_load %arg4[%swap3A] {strides = array<i32>} : memref<8192xf32, #tpu.memory_space<vmem>>, vector<16xf32>,
      %swap3A_404 = vector.shape_cast %swap3A_403 : vector<16xf32> to vector<16xf32>
      %swap3A_405 = vector.shape_cast %exp3A_402 : vector<16xf32> to vector<16xf32>
      tpu.vector_store %arg4[%swap3A], %swap3A_405 {strides = array<i32>} : memref<8192xf32, #tpu.memory_space<vmem>>, vector<16xf32>,
      %max3A_406 = arith.maximumf %scan3A_372, %get3A_401 : vector<16xf32>
      %min3A_407 = arith.minimumf %scan3A_373, %get3A_401 : vector<16xf32>
      %add3A_408 = arith.addf %scan3A_374, %exp3A_402 : vector<16xf32>
      %add3A_409 = arith.constant 16 : i32
      %add3A_410 = arith.addi %mul3A_397, %add3A_409 : i32
      %get3A_411 = arith.index_cast %add3A_410 : i32 to index
      %get3A_412 = tpu.vector_load %arg4[%get3A_411] {strides = array<i32>} : memref<8192xf32, #tpu.memory_space<vmem>>, vector<16xf32>,
      %get3A_413 = vector.shape_cast %get3A_412 : vector<16xf32> to vector<16xf32>
      %exp3A_414 = math.exp %get3A_413 : vector<16xf32>
      %swap3A_415 = arith.index_cast %add3A_410 : i32 to index
      %swap3A_416 = tpu.vector_load %arg4[%swap3A_415] {strides = array<i32>} : memref<8192xf32, #tpu.memory_space<vmem>>, vector<16xf32>,
      %swap3A_417 = vector.shape_cast %swap3A_416 : vector<16xf32> to vector<16xf32>
      %swap3A_418 = vector.shape_cast %exp3A_414 : vector<16xf32> to vector<16xf32>
      tpu.vector_store %arg4[%swap3A_415], %swap3A_418 {strides = array<i32>} : memref<8192xf32, #tpu.memory_space<vmem>>, vector<16xf32>,
      %max3A_419 = arith.maximumf %scan3A_375, %get3A_413 : vector<16xf32>
      %min3A_420 = arith.minimumf %scan3A_376, %get3A_413 : vector<16xf32>
      %add3A_421 = arith.addf %scan3A_377, %exp3A_414 : vector<16xf32>
      %add3A_422 = arith.constant 32 : i32
      %add3A_423 = arith.addi %mul3A_397, %add3A_422 : i32
      %get3A_424 = arith.index_cast %add3A_423 : i32 to index
      %get3A_425 = tpu.vector_load %arg4[%get3A_424] {strides = array<i32>} : memref<8192xf32, #tpu.memory_space<vmem>>, vector<16xf32>,
      %get3A_426 = vector.shape_cast %get3A_425 : vector<16xf32> to vector<16xf32>
      %exp3A_427 = math.exp %get3A_426 : vector<16xf32>
      %swap3A_428 = arith.index_cast %add3A_423 : i32 to index
      %swap3A_429 = tpu.vector_load %arg4[%swap3A_428] {strides = array<i32>} : memref<8192xf32, #tpu.memory_space<vmem>>, vector<16xf32>,
      %swap3A_430 = vector.shape_cast %swap3A_429 : vector<16xf32> to vector<16xf32>
      %swap3A_431 = vector.shape_cast %exp3A_427 : vector<16xf32> to vector<16xf32>
      tpu.vector_store %arg4[%swap3A_428], %swap3A_431 {strides = array<i32>} : memref<8192xf32, #tpu.memory_space<vmem>>, vector<16xf32>,
      %max3A_432 = arith.maximumf %scan3A_378, %get3A_426 : vector<16xf32>
      %min3A_433 = arith.minimumf %scan3A_379, %get3A_426 : vector<16xf32>
      %add3A_434 = arith.addf %scan3A_380, %exp3A_427 : vector<16xf32>
      %add3A_435 = arith.constant 48 : i32
      %add3A_436 = arith.addi %mul3A_397, %add3A_435 : i32
      %get3A_437 = arith.index_cast %add3A_436 : i32 to index
      %get3A_438 = tpu.vector_load %arg4[%get3A_437] {strides = array<i32>} : memref<8192xf32, #tpu.memory_space<vmem>>, vector<16xf32>,
      %get3A_439 = vector.shape_cast %get3A_438 : vector<16xf32> to vector<16xf32>
      %exp3A_440 = math.exp %get3A_439 : vector<16xf32>
      %swap3A_441 = arith.index_cast %add3A_436 : i32 to index
      %swap3A_442 = tpu.vector_load %arg4[%swap3A_441] {strides = array<i32>} : memref<8192xf32, #tpu.memory_space<vmem>>, vector<16xf32>,
      %swap3A_443 = vector.shape_cast %swap3A_442 : vector<16xf32> to vector<16xf32>
      %swap3A_444 = vector.shape_cast %exp3A_440 : vector<16xf32> to vector<16xf32>
      tpu.vector_store %arg4[%swap3A_441], %swap3A_444 {strides = array<i32>} : memref<8192xf32, #tpu.memory_space<vmem>>, vector<16xf32>,
      %max3A_445 = arith.maximumf %scan3A_381, %get3A_439 : vector<16xf32>
      %min3A_446 = arith.minimumf %scan3A_382, %get3A_439 : vector<16xf32>
      %add3A_447 = arith.addf %scan3A_383, %exp3A_440 : vector<16xf32>
      %add3A_448 = arith.constant 64 : i32
      %add3A_449 = arith.addi %mul3A_397, %add3A_448 : i32
      %get3A_450 = arith.index_cast %add3A_449 : i32 to index
      %get3A_451 = tpu.vector_load %arg4[%get3A_450] {strides = array<i32>} : memref<8192xf32, #tpu.memory_space<vmem>>, vector<16xf32>,
      %get3A_452 = vector.shape_cast %get3A_451 : vector<16xf32> to vector<16xf32>
      %exp3A_453 = math.exp %get3A_452 : vector<16xf32>
      %swap3A_454 = arith.index_cast %add3A_449 : i32 to index
      %swap3A_455 = tpu.vector_load %arg4[%swap3A_454] {strides = array<i32>} : memref<8192xf32, #tpu.memory_space<vmem>>, vector<16xf32>,
      %swap3A_456 = vector.shape_cast %swap3A_455 : vector<16xf32> to vector<16xf32>
      %swap3A_457 = vector.shape_cast %exp3A_453 : vector<16xf32> to vector<16xf32>
      tpu.vector_store %arg4[%swap3A_454], %swap3A_457 {strides = array<i32>} : memref<8192xf32, #tpu.memory_space<vmem>>, vector<16xf32>,
      %max3A_458 = arith.maximumf %scan3A_384, %get3A_452 : vector<16xf32>
      %min3A_459 = arith.minimumf %scan3A_385, %get3A_452 : vector<16xf32>
      %add3A_460 = arith.addf %scan3A_386, %exp3A_453 : vector<16xf32>
      %add3A_461 = arith.constant 80 : i32
      %add3A_462 = arith.addi %mul3A_397, %add3A_461 : i32
      %get3A_463 = arith.index_cast %add3A_462 : i32 to index
      %get3A_464 = tpu.vector_load %arg4[%get3A_463] {strides = array<i32>} : memref<8192xf32, #tpu.memory_space<vmem>>, vector<16xf32>,
      %get3A_465 = vector.shape_cast %get3A_464 : vector<16xf32> to vector<16xf32>
      %exp3A_466 = math.exp %get3A_465 : vector<16xf32>
      %swap3A_467 = arith.index_cast %add3A_462 : i32 to index
      %swap3A_468 = tpu.vector_load %arg4[%swap3A_467] {strides = array<i32>} : memref<8192xf32, #tpu.memory_space<vmem>>, vector<16xf32>,
      %swap3A_469 = vector.shape_cast %swap3A_468 : vector<16xf32> to vector<16xf32>
      %swap3A_470 = vector.shape_cast %exp3A_466 : vector<16xf32> to vector<16xf32>
      tpu.vector_store %arg4[%swap3A_467], %swap3A_470 {strides = array<i32>} : memref<8192xf32, #tpu.memory_space<vmem>>, vector<16xf32>,
      %max3A_471 = arith.maximumf %scan3A_387, %get3A_465 : vector<16xf32>
      %min3A_472 = arith.minimumf %scan3A_388, %get3A_465 : vector<16xf32>
      %add3A_473 = arith.addf %scan3A_389, %exp3A_466 : vector<16xf32>
      %add3A_474 = arith.constant 96 : i32
      %add3A_475 = arith.addi %mul3A_397, %add3A_474 : i32
      %get3A_476 = arith.index_cast %add3A_475 : i32 to index
      %get3A_477 = tpu.vector_load %arg4[%get3A_476] {strides = array<i32>} : memref<8192xf32, #tpu.memory_space<vmem>>, vector<16xf32>,
      %get3A_478 = vector.shape_cast %get3A_477 : vector<16xf32> to vector<16xf32>
      %exp3A_479 = math.exp %get3A_478 : vector<16xf32>
      %swap3A_480 = arith.index_cast %add3A_475 : i32 to index
      %swap3A_481 = tpu.vector_load %arg4[%swap3A_480] {strides = array<i32>} : memref<8192xf32, #tpu.memory_space<vmem>>, vector<16xf32>,
      %swap3A_482 = vector.shape_cast %swap3A_481 : vector<16xf32> to vector<16xf32>
      %swap3A_483 = vector.shape_cast %exp3A_479 : vector<16xf32> to vector<16xf32>
      tpu.vector_store %arg4[%swap3A_480], %swap3A_483 {strides = array<i32>} : memref<8192xf32, #tpu.memory_space<vmem>>, vector<16xf32>,
      %max3A_484 = arith.maximumf %scan3A_390, %get3A_478 : vector<16xf32>
      %min3A_485 = arith.minimumf %scan3A_391, %get3A_478 : vector<16xf32>
      %add3A_486 = arith.addf %scan3A_392, %exp3A_479 : vector<16xf32>
      %add3A_487 = arith.constant 112 : i32
      %add3A_488 = arith.addi %mul3A_397, %add3A_487 : i32
      %get3A_489 = arith.index_cast %add3A_488 : i32 to index
      %get3A_490 = tpu.vector_load %arg4[%get3A_489] {strides = array<i32>} : memref<8192xf32, #tpu.memory_space<vmem>>, vector<16xf32>,
      %get3A_491 = vector.shape_cast %get3A_490 : vector<16xf32> to vector<16xf32>
      %exp3A_492 = math.exp %get3A_491 : vector<16xf32>
      %swap3A_493 = arith.index_cast %add3A_488 : i32 to index
      %swap3A_494 = tpu.vector_load %arg4[%swap3A_493] {strides = array<i32>} : memref<8192xf32, #tpu.memory_space<vmem>>, vector<16xf32>,
      %swap3A_495 = vector.shape_cast %swap3A_494 : vector<16xf32> to vector<16xf32>
      %swap3A_496 = vector.shape_cast %exp3A_492 : vector<16xf32> to vector<16xf32>
      tpu.vector_store %arg4[%swap3A_493], %swap3A_496 {strides = array<i32>} : memref<8192xf32, #tpu.memory_space<vmem>>, vector<16xf32>,
      %max3A_497 = arith.maximumf %scan3A_393, %get3A_491 : vector<16xf32>
      %min3A_498 = arith.minimumf %scan3A_394, %get3A_491 : vector<16xf32>
      %add3A_499 = arith.addf %scan3A_395, %exp3A_492 : vector<16xf32>
      scf.yield %max3A_406, %min3A_407, %add3A_408, %max3A_419, %min3A_420, %add3A_421, %max3A_432, %min3A_433, %add3A_434, %max3A_445, %min3A_446, %add3A_447, %max3A_458, %min3A_459, %add3A_460, %max3A_471, %min3A_472, %add3A_473, %max3A_484, %min3A_485, %add3A_486, %max3A_497, %min3A_498, %add3A_499 : vector<16xf32>, vector<16xf32>, vector<16xf32>, vector<16xf32>, vector<16xf32>, vector<16xf32>, vector<16xf32>, vector<16xf32>, vector<16xf32>, vector<16xf32>, vector<16xf32>, vector<16xf32>, vector<16xf32>, vector<16xf32>, vector<16xf32>, vector<16xf32>, vector<16xf32>, vector<16xf32>, vector<16xf32>, vector<16xf32>, vector<16xf32>, vector<16xf32>, vector<16xf32>, vector<16xf32>
    }
    %scan3A_54 = arith.constant 32 : i32
    %max3A = arith.maximumf %scan3A_53#0, %scan3A_53#3 : vector<16xf32>
    %max3A_55 = arith.maximumf %scan3A_53#6, %scan3A_53#9 : vector<16xf32>
    %max3A_56 = arith.maximumf %scan3A_53#12, %scan3A_53#15 : vector<16xf32>
    %max3A_57 = arith.maximumf %scan3A_53#18, %scan3A_53#21 : vector<16xf32>
    %max3A_58 = arith.maximumf %max3A, %max3A_55 : vector<16xf32>
    %max3A_59 = arith.maximumf %max3A_56, %max3A_57 : vector<16xf32>
    %max3A_60 = arith.maximumf %max3A_58, %max3A_59 : vector<16xf32>
    %min3A = arith.minimumf %scan3A_53#1, %scan3A_53#4 : vector<16xf32>
    %min3A_61 = arith.minimumf %scan3A_53#7, %scan3A_53#10 : vector<16xf32>
    %min3A_62 = arith.minimumf %scan3A_53#13, %scan3A_53#16 : vector<16xf32>
    %min3A_63 = arith.minimumf %scan3A_53#19, %scan3A_53#22 : vector<16xf32>
    %min3A_64 = arith.minimumf %min3A, %min3A_61 : vector<16xf32>
    %min3A_65 = arith.minimumf %min3A_62, %min3A_63 : vector<16xf32>
    %min3A_66 = arith.minimumf %min3A_64, %min3A_65 : vector<16xf32>
    %add3A_67 = arith.addf %scan3A_53#2, %scan3A_53#5 : vector<16xf32>
    %add3A_68 = arith.addf %scan3A_53#8, %scan3A_53#11 : vector<16xf32>
    %add3A_69 = arith.addf %scan3A_53#14, %scan3A_53#17 : vector<16xf32>
    %add3A_70 = arith.addf %scan3A_53#20, %scan3A_53#23 : vector<16xf32>
    %add3A_71 = arith.addf %add3A_67, %add3A_68 : vector<16xf32>
    %add3A_72 = arith.addf %add3A_69, %add3A_70 : vector<16xf32>
    %add3A_73 = arith.addf %add3A_71, %add3A_72 : vector<16xf32>
    %iota3A = tpu.iota {dimensions = array<i32: 0>} : vector<16xi32>
    %xor3A = arith.constant 1 : i32
    %xor3A_74 = vector.broadcast %xor3A : i32 to vector<16xi32>
    %xor3A_75 = arith.xori %iota3A, %xor3A_74 : vector<16xi32>
    %reshape3A = vector.shape_cast %xor3A_75 : vector<16xi32> to vector<16x1xi32>
    %gather3A = vector.shape_cast %reshape3A : vector<16x1xi32> to vector<16xi32>
    %gather3A_76 = tpu.dynamic_gather %max3A_60[%gather3A] in [0] : vector<16xf32>, vector<16xi32> -> vector<16xf32>
    %max3A_77 = arith.maximumf %max3A_60, %gather3A_76 : vector<16xf32>
    %xor3A_78 = arith.constant 2 : i32
    %xor3A_79 = vector.broadcast %xor3A_78 : i32 to vector<16xi32>
    %xor3A_80 = arith.xori %iota3A, %xor3A_79 : vector<16xi32>
    %reshape3A_81 = vector.shape_cast %xor3A_80 : vector<16xi32> to vector<16x1xi32>
    %gather3A_82 = vector.shape_cast %reshape3A_81 : vector<16x1xi32> to vector<16xi32>
    %gather3A_83 = tpu.dynamic_gather %max3A_77[%gather3A_82] in [0] : vector<16xf32>, vector<16xi32> -> vector<16xf32>
    %max3A_84 = arith.maximumf %max3A_77, %gather3A_83 : vector<16xf32>
    %xor3A_85 = arith.constant 4 : i32
    %xor3A_86 = vector.broadcast %xor3A_85 : i32 to vector<16xi32>
    %xor3A_87 = arith.xori %iota3A, %xor3A_86 : vector<16xi32>
    %reshape3A_88 = vector.shape_cast %xor3A_87 : vector<16xi32> to vector<16x1xi32>
    %gather3A_89 = vector.shape_cast %reshape3A_88 : vector<16x1xi32> to vector<16xi32>
    %gather3A_90 = tpu.dynamic_gather %max3A_84[%gather3A_89] in [0] : vector<16xf32>, vector<16xi32> -> vector<16xf32>
    %max3A_91 = arith.maximumf %max3A_84, %gather3A_90 : vector<16xf32>
    %xor3A_92 = arith.constant 8 : i32
    %xor3A_93 = vector.broadcast %xor3A_92 : i32 to vector<16xi32>
    %xor3A_94 = arith.xori %iota3A, %xor3A_93 : vector<16xi32>
    %reshape3A_95 = vector.shape_cast %xor3A_94 : vector<16xi32> to vector<16x1xi32>
    %gather3A_96 = vector.shape_cast %reshape3A_95 : vector<16x1xi32> to vector<16xi32>
    %gather3A_97 = tpu.dynamic_gather %max3A_91[%gather3A_96] in [0] : vector<16xf32>, vector<16xi32> -> vector<16xf32>
    %max3A_98 = arith.maximumf %max3A_91, %gather3A_97 : vector<16xf32>
    %neg3A_99 = arith.constant 0.000000e+00 : f32
    %neg3A_100 = vector.broadcast %neg3A_99 : f32 to vector<16xf32>
    %neg3A_101 = arith.subf %neg3A_100, %max3A_98 : vector<16xf32>
    %sub3A = arith.constant 6.000000e+00 : f32
    %sub3A_102 = vector.broadcast %sub3A : f32 to vector<16xf32>
    %sub3A_103 = arith.subf %neg3A_101, %sub3A_102 : vector<16xf32>
    %iota3A_104 = tpu.iota {dimensions = array<i32: 0>} : vector<16xi32>
    %xor3A_105 = arith.constant 1 : i32
    %xor3A_106 = vector.broadcast %xor3A_105 : i32 to vector<16xi32>
    %xor3A_107 = arith.xori %iota3A_104, %xor3A_106 : vector<16xi32>
    %reshape3A_108 = vector.shape_cast %xor3A_107 : vector<16xi32> to vector<16x1xi32>
    %gather3A_109 = vector.shape_cast %reshape3A_108 : vector<16x1xi32> to vector<16xi32>
    %gather3A_110 = tpu.dynamic_gather %min3A_66[%gather3A_109] in [0] : vector<16xf32>, vector<16xi32> -> vector<16xf32>
    %min3A_111 = arith.minimumf %min3A_66, %gather3A_110 : vector<16xf32>
    %xor3A_112 = arith.constant 2 : i32
    %xor3A_113 = vector.broadcast %xor3A_112 : i32 to vector<16xi32>
    %xor3A_114 = arith.xori %iota3A_104, %xor3A_113 : vector<16xi32>
    %reshape3A_115 = vector.shape_cast %xor3A_114 : vector<16xi32> to vector<16x1xi32>
    %gather3A_116 = vector.shape_cast %reshape3A_115 : vector<16x1xi32> to vector<16xi32>
    %gather3A_117 = tpu.dynamic_gather %min3A_111[%gather3A_116] in [0] : vector<16xf32>, vector<16xi32> -> vector<16xf32>
    %min3A_118 = arith.minimumf %min3A_111, %gather3A_117 : vector<16xf32>
    %xor3A_119 = arith.constant 4 : i32
    %xor3A_120 = vector.broadcast %xor3A_119 : i32 to vector<16xi32>
    %xor3A_121 = arith.xori %iota3A_104, %xor3A_120 : vector<16xi32>
    %reshape3A_122 = vector.shape_cast %xor3A_121 : vector<16xi32> to vector<16x1xi32>
    %gather3A_123 = vector.shape_cast %reshape3A_122 : vector<16x1xi32> to vector<16xi32>
    %gather3A_124 = tpu.dynamic_gather %min3A_118[%gather3A_123] in [0] : vector<16xf32>, vector<16xi32> -> vector<16xf32>
    %min3A_125 = arith.minimumf %min3A_118, %gather3A_124 : vector<16xf32>
    %xor3A_126 = arith.constant 8 : i32
    %xor3A_127 = vector.broadcast %xor3A_126 : i32 to vector<16xi32>
    %xor3A_128 = arith.xori %iota3A_104, %xor3A_127 : vector<16xi32>
    %reshape3A_129 = vector.shape_cast %xor3A_128 : vector<16xi32> to vector<16x1xi32>
    %gather3A_130 = vector.shape_cast %reshape3A_129 : vector<16x1xi32> to vector<16xi32>
    %gather3A_131 = tpu.dynamic_gather %min3A_125[%gather3A_130] in [0] : vector<16xf32>, vector<16xi32> -> vector<16xf32>
    %min3A_132 = arith.minimumf %min3A_125, %gather3A_131 : vector<16xf32>
    %neg3A_133 = arith.constant 0.000000e+00 : f32
    %neg3A_134 = vector.broadcast %neg3A_133 : f32 to vector<16xf32>
    %neg3A_135 = arith.subf %neg3A_134, %min3A_132 : vector<16xf32>
    %iota3A_136 = tpu.iota {dimensions = array<i32: 0>} : vector<16xi32>
    %xor3A_137 = arith.constant 1 : i32
    %xor3A_138 = vector.broadcast %xor3A_137 : i32 to vector<16xi32>
    %xor3A_139 = arith.xori %iota3A_136, %xor3A_138 : vector<16xi32>
    %reshape3A_140 = vector.shape_cast %xor3A_139 : vector<16xi32> to vector<16x1xi32>
    %gather3A_141 = vector.shape_cast %reshape3A_140 : vector<16x1xi32> to vector<16xi32>
    %gather3A_142 = tpu.dynamic_gather %add3A_73[%gather3A_141] in [0] : vector<16xf32>, vector<16xi32> -> vector<16xf32>
    %add3A_143 = arith.addf %add3A_73, %gather3A_142 : vector<16xf32>
    %xor3A_144 = arith.constant 2 : i32
    %xor3A_145 = vector.broadcast %xor3A_144 : i32 to vector<16xi32>
    %xor3A_146 = arith.xori %iota3A_136, %xor3A_145 : vector<16xi32>
    %reshape3A_147 = vector.shape_cast %xor3A_146 : vector<16xi32> to vector<16x1xi32>
    %gather3A_148 = vector.shape_cast %reshape3A_147 : vector<16x1xi32> to vector<16xi32>
    %gather3A_149 = tpu.dynamic_gather %add3A_143[%gather3A_148] in [0] : vector<16xf32>, vector<16xi32> -> vector<16xf32>
    %add3A_150 = arith.addf %add3A_143, %gather3A_149 : vector<16xf32>
    %xor3A_151 = arith.constant 4 : i32
    %xor3A_152 = vector.broadcast %xor3A_151 : i32 to vector<16xi32>
    %xor3A_153 = arith.xori %iota3A_136, %xor3A_152 : vector<16xi32>
    %reshape3A_154 = vector.shape_cast %xor3A_153 : vector<16xi32> to vector<16x1xi32>
    %gather3A_155 = vector.shape_cast %reshape3A_154 : vector<16x1xi32> to vector<16xi32>
    %gather3A_156 = tpu.dynamic_gather %add3A_150[%gather3A_155] in [0] : vector<16xf32>, vector<16xi32> -> vector<16xf32>
    %add3A_157 = arith.addf %add3A_150, %gather3A_156 : vector<16xf32>
    %xor3A_158 = arith.constant 8 : i32
    %xor3A_159 = vector.broadcast %xor3A_158 : i32 to vector<16xi32>
    %xor3A_160 = arith.xori %iota3A_136, %xor3A_159 : vector<16xi32>
    %reshape3A_161 = vector.shape_cast %xor3A_160 : vector<16xi32> to vector<16x1xi32>
    %gather3A_162 = vector.shape_cast %reshape3A_161 : vector<16x1xi32> to vector<16xi32>
    %gather3A_163 = tpu.dynamic_gather %add3A_157[%gather3A_162] in [0] : vector<16xf32>, vector<16xi32> -> vector<16xf32>
    %add3A_164 = arith.addf %add3A_157, %gather3A_163 : vector<16xf32>
    %bitcast_convert_type3A = tpu.bitcast %add3A_164 : vector<16xf32> -> vector<16xi32>
    %shift_right_arithmetic3A = arith.constant 23 : i32
    %shift_right_arithmetic3A_165 = vector.broadcast %shift_right_arithmetic3A : i32 to vector<16xi32>
    %shift_right_arithmetic3A_166 = arith.shrsi %bitcast_convert_type3A, %shift_right_arithmetic3A_165 : vector<16xi32>
    %and3A = arith.constant 255 : i32
    %and3A_167 = vector.broadcast %and3A : i32 to vector<16xi32>
    %and3A_168 = arith.andi %shift_right_arithmetic3A_166, %and3A_167 : vector<16xi32>
    %sub3A_169 = arith.constant 127 : i32
    %sub3A_170 = vector.broadcast %sub3A_169 : i32 to vector<16xi32>
    %sub3A_171 = arith.subi %and3A_168, %sub3A_170 : vector<16xi32>
    %and3A_172 = arith.constant 8388607 : i32
    %and3A_173 = vector.broadcast %and3A_172 : i32 to vector<16xi32>
    %and3A_174 = arith.andi %bitcast_convert_type3A, %and3A_173 : vector<16xi32>
    %or3A = arith.constant 1065353216 : i32
    %or3A_175 = vector.broadcast %or3A : i32 to vector<16xi32>
    %or3A_176 = arith.ori %and3A_174, %or3A_175 : vector<16xi32>
    %bitcast_convert_type3A_177 = tpu.bitcast %or3A_176 : vector<16xi32> -> vector<16xf32>
    %sub3A_178 = arith.constant 1.000000e+00 : f32
    %sub3A_179 = vector.broadcast %sub3A_178 : f32 to vector<16xf32>
    %sub3A_180 = arith.subf %bitcast_convert_type3A_177, %sub3A_179 : vector<16xf32>
    %mul3A_181 = arith.constant -0.0548628531 : f32
    %mul3A_182 = vector.broadcast %mul3A_181 : f32 to vector<16xf32>
    %mul3A_183 = arith.mulf %mul3A_182, %sub3A_180 : vector<16xf32>
    %add3A_184 = arith.constant 0.216410443 : f32
    %add3A_185 = vector.broadcast %add3A_184 : f32 to vector<16xf32>
    %add3A_186 = arith.addf %mul3A_183, %add3A_185 : vector<16xf32>
    %mul3A_187 = arith.mulf %add3A_186, %sub3A_180 : vector<16xf32>
    %add3A_188 = arith.constant -0.464072585 : f32
    %add3A_189 = vector.broadcast %add3A_188 : f32 to vector<16xf32>
    %add3A_190 = arith.addf %mul3A_187, %add3A_189 : vector<16xf32>
    %mul3A_191 = arith.mulf %add3A_190, %sub3A_180 : vector<16xf32>
    %add3A_192 = arith.constant 0.99542731 : f32
    %add3A_193 = vector.broadcast %add3A_192 : f32 to vector<16xf32>
    %add3A_194 = arith.addf %mul3A_191, %add3A_193 : vector<16xf32>
    %mul3A_195 = arith.mulf %add3A_194, %sub3A_180 : vector<16xf32>
    %add3A_196 = arith.constant 1.41512181E-4 : f32
    %add3A_197 = vector.broadcast %add3A_196 : f32 to vector<16xf32>
    %add3A_198 = arith.addf %mul3A_195, %add3A_197 : vector<16xf32>
    %convert_element_type3A = arith.sitofp %sub3A_171 : vector<16xi32> to vector<16xf32>
    %mul3A_199 = arith.constant 0.693147182 : f32
    %mul3A_200 = vector.broadcast %mul3A_199 : f32 to vector<16xf32>
    %mul3A_201 = arith.mulf %mul3A_200, %convert_element_type3A : vector<16xf32>
    %add3A_202 = arith.addf %mul3A_201, %add3A_198 : vector<16xf32>
    %sub3A_203 = arith.constant 4.15888309 : f32
    %sub3A_204 = vector.broadcast %sub3A_203 : f32 to vector<16xf32>
    %sub3A_205 = arith.subf %sub3A_204, %add3A_202 : vector<16xf32>
    %max3A_206 = arith.maximumf %sub3A_103, %sub3A_205 : vector<16xf32>
    %min3A_207 = arith.minimumf %neg3A_135, %max3A_206 : vector<16xf32>
    %broadcast_in_dim3A_208 = arith.constant -6.400000e+01 : f32
    %broadcast_in_dim3A_209 = vector.broadcast %broadcast_in_dim3A_208 : f32 to vector<16xf32>
    %broadcast_in_dim3A_210 = arith.constant 4.032000e+03 : f32
    %broadcast_in_dim3A_211 = vector.broadcast %broadcast_in_dim3A_210 : f32 to vector<16xf32>
    %neg3A_212 = arith.constant 0.000000e+00 : f32
    %neg3A_213 = vector.broadcast %neg3A_212 : f32 to vector<16xf32>
    %neg3A_214 = arith.subf %neg3A_213, %min3A_207 : vector<16xf32>
    %exp3A = math.exp %neg3A_214 : vector<16xf32>
    %broadcast_in_dim3A_215 = arith.constant 0.000000e+00 : f32
    %broadcast_in_dim3A_216 = vector.broadcast %broadcast_in_dim3A_215 : f32 to vector<16xf32>
    %scan3A_217 = arith.constant 0 : i32
    %scan3A_218 = arith.constant 64 : i32
    %scan3A_219 = arith.addi %scan3A_217, %scan3A_218 : i32
    %scan3A_220 = arith.constant 1 : i32
    %scan3A_221:16 = scf.for %scan3A_371 = %scan3A_217 to %scan3A_219 step %scan3A_220 iter_args(%scan3A_372 = %broadcast_in_dim3A_216, %scan3A_373 = %broadcast_in_dim3A_216, %scan3A_374 = %broadcast_in_dim3A_216, %scan3A_375 = %broadcast_in_dim3A_216, %scan3A_376 = %broadcast_in_dim3A_216, %scan3A_377 = %broadcast_in_dim3A_216, %scan3A_378 = %broadcast_in_dim3A_216, %scan3A_379 = %broadcast_in_dim3A_216, %scan3A_380 = %broadcast_in_dim3A_216, %scan3A_381 = %broadcast_in_dim3A_216, %scan3A_382 = %broadcast_in_dim3A_216, %scan3A_383 = %broadcast_in_dim3A_216, %scan3A_384 = %broadcast_in_dim3A_216, %scan3A_385 = %broadcast_in_dim3A_216, %scan3A_386 = %broadcast_in_dim3A_216, %scan3A_387 = %broadcast_in_dim3A_216) -> (vector<16xf32>, vector<16xf32>, vector<16xf32>, vector<16xf32>, vector<16xf32>, vector<16xf32>, vector<16xf32>, vector<16xf32>, vector<16xf32>, vector<16xf32>, vector<16xf32>, vector<16xf32>, vector<16xf32>, vector<16xf32>, vector<16xf32>, vector<16xf32>)  : i32 {
      %mul3A_388 = arith.constant 128 : i32
      %mul3A_389 = arith.muli %scan3A_371, %mul3A_388 : i32
      %add3A_390 = arith.constant 0 : i32
      %add3A_391 = arith.addi %mul3A_389, %add3A_390 : i32
      %get3A = arith.index_cast %add3A_391 : i32 to index
      %get3A_392 = tpu.vector_load %arg4[%get3A] {strides = array<i32>} : memref<8192xf32, #tpu.memory_space<vmem>>, vector<16xf32>,
      %get3A_393 = vector.shape_cast %get3A_392 : vector<16xf32> to vector<16xf32>
      %add3A_394 = arith.addf %get3A_393, %exp3A : vector<16xf32>
      %div3A_395 = arith.divf %get3A_393, %add3A_394 : vector<16xf32>
      %add3A_396 = arith.addf %scan3A_372, %div3A_395 : vector<16xf32>
      %mul3A_397 = arith.mulf %div3A_395, %div3A_395 : vector<16xf32>
      %add3A_398 = arith.addf %scan3A_373, %mul3A_397 : vector<16xf32>
      %add3A_399 = arith.constant 16 : i32
      %add3A_400 = arith.addi %mul3A_389, %add3A_399 : i32
      %get3A_401 = arith.index_cast %add3A_400 : i32 to index
      %get3A_402 = tpu.vector_load %arg4[%get3A_401] {strides = array<i32>} : memref<8192xf32, #tpu.memory_space<vmem>>, vector<16xf32>,
      %get3A_403 = vector.shape_cast %get3A_402 : vector<16xf32> to vector<16xf32>
      %add3A_404 = arith.addf %get3A_403, %exp3A : vector<16xf32>
      %div3A_405 = arith.divf %get3A_403, %add3A_404 : vector<16xf32>
      %add3A_406 = arith.addf %scan3A_374, %div3A_405 : vector<16xf32>
      %mul3A_407 = arith.mulf %div3A_405, %div3A_405 : vector<16xf32>
      %add3A_408 = arith.addf %scan3A_375, %mul3A_407 : vector<16xf32>
      %add3A_409 = arith.constant 32 : i32
      %add3A_410 = arith.addi %mul3A_389, %add3A_409 : i32
      %get3A_411 = arith.index_cast %add3A_410 : i32 to index
      %get3A_412 = tpu.vector_load %arg4[%get3A_411] {strides = array<i32>} : memref<8192xf32, #tpu.memory_space<vmem>>, vector<16xf32>,
      %get3A_413 = vector.shape_cast %get3A_412 : vector<16xf32> to vector<16xf32>
      %add3A_414 = arith.addf %get3A_413, %exp3A : vector<16xf32>
      %div3A_415 = arith.divf %get3A_413, %add3A_414 : vector<16xf32>
      %add3A_416 = arith.addf %scan3A_376, %div3A_415 : vector<16xf32>
      %mul3A_417 = arith.mulf %div3A_415, %div3A_415 : vector<16xf32>
      %add3A_418 = arith.addf %scan3A_377, %mul3A_417 : vector<16xf32>
      %add3A_419 = arith.constant 48 : i32
      %add3A_420 = arith.addi %mul3A_389, %add3A_419 : i32
      %get3A_421 = arith.index_cast %add3A_420 : i32 to index
      %get3A_422 = tpu.vector_load %arg4[%get3A_421] {strides = array<i32>} : memref<8192xf32, #tpu.memory_space<vmem>>, vector<16xf32>,
      %get3A_423 = vector.shape_cast %get3A_422 : vector<16xf32> to vector<16xf32>
      %add3A_424 = arith.addf %get3A_423, %exp3A : vector<16xf32>
      %div3A_425 = arith.divf %get3A_423, %add3A_424 : vector<16xf32>
      %add3A_426 = arith.addf %scan3A_378, %div3A_425 : vector<16xf32>
      %mul3A_427 = arith.mulf %div3A_425, %div3A_425 : vector<16xf32>
      %add3A_428 = arith.addf %scan3A_379, %mul3A_427 : vector<16xf32>
      %add3A_429 = arith.constant 64 : i32
      %add3A_430 = arith.addi %mul3A_389, %add3A_429 : i32
      %get3A_431 = arith.index_cast %add3A_430 : i32 to index
      %get3A_432 = tpu.vector_load %arg4[%get3A_431] {strides = array<i32>} : memref<8192xf32, #tpu.memory_space<vmem>>, vector<16xf32>,
      %get3A_433 = vector.shape_cast %get3A_432 : vector<16xf32> to vector<16xf32>
      %add3A_434 = arith.addf %get3A_433, %exp3A : vector<16xf32>
      %div3A_435 = arith.divf %get3A_433, %add3A_434 : vector<16xf32>
      %add3A_436 = arith.addf %scan3A_380, %div3A_435 : vector<16xf32>
      %mul3A_437 = arith.mulf %div3A_435, %div3A_435 : vector<16xf32>
      %add3A_438 = arith.addf %scan3A_381, %mul3A_437 : vector<16xf32>
      %add3A_439 = arith.constant 80 : i32
      %add3A_440 = arith.addi %mul3A_389, %add3A_439 : i32
      %get3A_441 = arith.index_cast %add3A_440 : i32 to index
      %get3A_442 = tpu.vector_load %arg4[%get3A_441] {strides = array<i32>} : memref<8192xf32, #tpu.memory_space<vmem>>, vector<16xf32>,
      %get3A_443 = vector.shape_cast %get3A_442 : vector<16xf32> to vector<16xf32>
      %add3A_444 = arith.addf %get3A_443, %exp3A : vector<16xf32>
      %div3A_445 = arith.divf %get3A_443, %add3A_444 : vector<16xf32>
      %add3A_446 = arith.addf %scan3A_382, %div3A_445 : vector<16xf32>
      %mul3A_447 = arith.mulf %div3A_445, %div3A_445 : vector<16xf32>
      %add3A_448 = arith.addf %scan3A_383, %mul3A_447 : vector<16xf32>
      %add3A_449 = arith.constant 96 : i32
      %add3A_450 = arith.addi %mul3A_389, %add3A_449 : i32
      %get3A_451 = arith.index_cast %add3A_450 : i32 to index
      %get3A_452 = tpu.vector_load %arg4[%get3A_451] {strides = array<i32>} : memref<8192xf32, #tpu.memory_space<vmem>>, vector<16xf32>,
      %get3A_453 = vector.shape_cast %get3A_452 : vector<16xf32> to vector<16xf32>
      %add3A_454 = arith.addf %get3A_453, %exp3A : vector<16xf32>
      %div3A_455 = arith.divf %get3A_453, %add3A_454 : vector<16xf32>
      %add3A_456 = arith.addf %scan3A_384, %div3A_455 : vector<16xf32>
      %mul3A_457 = arith.mulf %div3A_455, %div3A_455 : vector<16xf32>
      %add3A_458 = arith.addf %scan3A_385, %mul3A_457 : vector<16xf32>
      %add3A_459 = arith.constant 112 : i32
      %add3A_460 = arith.addi %mul3A_389, %add3A_459 : i32
      %get3A_461 = arith.index_cast %add3A_460 : i32 to index
      %get3A_462 = tpu.vector_load %arg4[%get3A_461] {strides = array<i32>} : memref<8192xf32, #tpu.memory_space<vmem>>, vector<16xf32>,
      %get3A_463 = vector.shape_cast %get3A_462 : vector<16xf32> to vector<16xf32>
      %add3A_464 = arith.addf %get3A_463, %exp3A : vector<16xf32>
      %div3A_465 = arith.divf %get3A_463, %add3A_464 : vector<16xf32>
      %add3A_466 = arith.addf %scan3A_386, %div3A_465 : vector<16xf32>
      %mul3A_467 = arith.mulf %div3A_465, %div3A_465 : vector<16xf32>
      %add3A_468 = arith.addf %scan3A_387, %mul3A_467 : vector<16xf32>
      scf.yield %add3A_396, %add3A_398, %add3A_406, %add3A_408, %add3A_416, %add3A_418, %add3A_426, %add3A_428, %add3A_436, %add3A_438, %add3A_446, %add3A_448, %add3A_456, %add3A_458, %add3A_466, %add3A_468 : vector<16xf32>, vector<16xf32>, vector<16xf32>, vector<16xf32>, vector<16xf32>, vector<16xf32>, vector<16xf32>, vector<16xf32>, vector<16xf32>, vector<16xf32>, vector<16xf32>, vector<16xf32>, vector<16xf32>, vector<16xf32>, vector<16xf32>, vector<16xf32>
    }
    %scan3A_222 = arith.constant 64 : i32
    %add3A_223 = arith.addf %scan3A_221#0, %scan3A_221#2 : vector<16xf32>
    %add3A_224 = arith.addf %scan3A_221#4, %scan3A_221#6 : vector<16xf32>
    %add3A_225 = arith.addf %scan3A_221#8, %scan3A_221#10 : vector<16xf32>
    %add3A_226 = arith.addf %scan3A_221#12, %scan3A_221#14 : vector<16xf32>
    %add3A_227 = arith.addf %add3A_223, %add3A_224 : vector<16xf32>
    %add3A_228 = arith.addf %add3A_225, %add3A_226 : vector<16xf32>
    %add3A_229 = arith.addf %add3A_227, %add3A_228 : vector<16xf32>
    %iota3A_230 = tpu.iota {dimensions = array<i32: 0>} : vector<16xi32>
    %xor3A_231 = arith.constant 1 : i32
    %xor3A_232 = vector.broadcast %xor3A_231 : i32 to vector<16xi32>
    %xor3A_233 = arith.xori %iota3A_230, %xor3A_232 : vector<16xi32>
    %reshape3A_234 = vector.shape_cast %xor3A_233 : vector<16xi32> to vector<16x1xi32>
    %gather3A_235 = vector.shape_cast %reshape3A_234 : vector<16x1xi32> to vector<16xi32>
    %gather3A_236 = tpu.dynamic_gather %add3A_229[%gather3A_235] in [0] : vector<16xf32>, vector<16xi32> -> vector<16xf32>
    %add3A_237 = arith.addf %add3A_229, %gather3A_236 : vector<16xf32>
    %xor3A_238 = arith.constant 2 : i32
    %xor3A_239 = vector.broadcast %xor3A_238 : i32 to vector<16xi32>
    %xor3A_240 = arith.xori %iota3A_230, %xor3A_239 : vector<16xi32>
    %reshape3A_241 = vector.shape_cast %xor3A_240 : vector<16xi32> to vector<16x1xi32>
    %gather3A_242 = vector.shape_cast %reshape3A_241 : vector<16x1xi32> to vector<16xi32>
    %gather3A_243 = tpu.dynamic_gather %add3A_237[%gather3A_242] in [0] : vector<16xf32>, vector<16xi32> -> vector<16xf32>
    %add3A_244 = arith.addf %add3A_237, %gather3A_243 : vector<16xf32>
    %xor3A_245 = arith.constant 4 : i32
    %xor3A_246 = vector.broadcast %xor3A_245 : i32 to vector<16xi32>
    %xor3A_247 = arith.xori %iota3A_230, %xor3A_246 : vector<16xi32>
    %reshape3A_248 = vector.shape_cast %xor3A_247 : vector<16xi32> to vector<16x1xi32>
    %gather3A_249 = vector.shape_cast %reshape3A_248 : vector<16x1xi32> to vector<16xi32>
    %gather3A_250 = tpu.dynamic_gather %add3A_244[%gather3A_249] in [0] : vector<16xf32>, vector<16xi32> -> vector<16xf32>
    %add3A_251 = arith.addf %add3A_244, %gather3A_250 : vector<16xf32>
    %xor3A_252 = arith.constant 8 : i32
    %xor3A_253 = vector.broadcast %xor3A_252 : i32 to vector<16xi32>
    %xor3A_254 = arith.xori %iota3A_230, %xor3A_253 : vector<16xi32>
    %reshape3A_255 = vector.shape_cast %xor3A_254 : vector<16xi32> to vector<16x1xi32>
    %gather3A_256 = vector.shape_cast %reshape3A_255 : vector<16x1xi32> to vector<16xi32>
    %gather3A_257 = tpu.dynamic_gather %add3A_251[%gather3A_256] in [0] : vector<16xf32>, vector<16xi32> -> vector<16xf32>
    %add3A_258 = arith.addf %add3A_251, %gather3A_257 : vector<16xf32>
    %sub3A_259 = arith.constant 6.400000e+01 : f32
    %sub3A_260 = vector.broadcast %sub3A_259 : f32 to vector<16xf32>
    %sub3A_261 = arith.subf %add3A_258, %sub3A_260 : vector<16xf32>
    %add3A_262 = arith.constant 6.400000e+01 : f32
    %add3A_263 = vector.broadcast %add3A_262 : f32 to vector<16xf32>
    %add3A_264 = arith.addf %sub3A_261, %add3A_263 : vector<16xf32>
    %add3A_265 = arith.addf %scan3A_221#1, %scan3A_221#3 : vector<16xf32>
    %add3A_266 = arith.addf %scan3A_221#5, %scan3A_221#7 : vector<16xf32>
    %add3A_267 = arith.addf %scan3A_221#9, %scan3A_221#11 : vector<16xf32>
    %add3A_268 = arith.addf %scan3A_221#13, %scan3A_221#15 : vector<16xf32>
    %add3A_269 = arith.addf %add3A_265, %add3A_266 : vector<16xf32>
    %add3A_270 = arith.addf %add3A_267, %add3A_268 : vector<16xf32>
    %add3A_271 = arith.addf %add3A_269, %add3A_270 : vector<16xf32>
    %iota3A_272 = tpu.iota {dimensions = array<i32: 0>} : vector<16xi32>
    %xor3A_273 = arith.constant 1 : i32
    %xor3A_274 = vector.broadcast %xor3A_273 : i32 to vector<16xi32>
    %xor3A_275 = arith.xori %iota3A_272, %xor3A_274 : vector<16xi32>
    %reshape3A_276 = vector.shape_cast %xor3A_275 : vector<16xi32> to vector<16x1xi32>
    %gather3A_277 = vector.shape_cast %reshape3A_276 : vector<16x1xi32> to vector<16xi32>
    %gather3A_278 = tpu.dynamic_gather %add3A_271[%gather3A_277] in [0] : vector<16xf32>, vector<16xi32> -> vector<16xf32>
    %add3A_279 = arith.addf %add3A_271, %gather3A_278 : vector<16xf32>
    %xor3A_280 = arith.constant 2 : i32
    %xor3A_281 = vector.broadcast %xor3A_280 : i32 to vector<16xi32>
    %xor3A_282 = arith.xori %iota3A_272, %xor3A_281 : vector<16xi32>
    %reshape3A_283 = vector.shape_cast %xor3A_282 : vector<16xi32> to vector<16x1xi32>
    %gather3A_284 = vector.shape_cast %reshape3A_283 : vector<16x1xi32> to vector<16xi32>
    %gather3A_285 = tpu.dynamic_gather %add3A_279[%gather3A_284] in [0] : vector<16xf32>, vector<16xi32> -> vector<16xf32>
    %add3A_286 = arith.addf %add3A_279, %gather3A_285 : vector<16xf32>
    %xor3A_287 = arith.constant 4 : i32
    %xor3A_288 = vector.broadcast %xor3A_287 : i32 to vector<16xi32>
    %xor3A_289 = arith.xori %iota3A_272, %xor3A_288 : vector<16xi32>
    %reshape3A_290 = vector.shape_cast %xor3A_289 : vector<16xi32> to vector<16x1xi32>
    %gather3A_291 = vector.shape_cast %reshape3A_290 : vector<16x1xi32> to vector<16xi32>
    %gather3A_292 = tpu.dynamic_gather %add3A_286[%gather3A_291] in [0] : vector<16xf32>, vector<16xi32> -> vector<16xf32>
    %add3A_293 = arith.addf %add3A_286, %gather3A_292 : vector<16xf32>
    %xor3A_294 = arith.constant 8 : i32
    %xor3A_295 = vector.broadcast %xor3A_294 : i32 to vector<16xi32>
    %xor3A_296 = arith.xori %iota3A_272, %xor3A_295 : vector<16xi32>
    %reshape3A_297 = vector.shape_cast %xor3A_296 : vector<16xi32> to vector<16x1xi32>
    %gather3A_298 = vector.shape_cast %reshape3A_297 : vector<16x1xi32> to vector<16xi32>
    %gather3A_299 = tpu.dynamic_gather %add3A_293[%gather3A_298] in [0] : vector<16xf32>, vector<16xi32> -> vector<16xf32>
    %add3A_300 = arith.addf %add3A_293, %gather3A_299 : vector<16xf32>
    %sub3A_301 = arith.subf %add3A_264, %add3A_300 : vector<16xf32>
    %lt3A = arith.constant 0.000000e+00 : f32
    %lt3A_302 = vector.broadcast %lt3A : f32 to vector<16xf32>
    %lt3A_303 = arith.cmpf olt, %sub3A_261, %lt3A_302 : vector<16xf32>
    %select_n3A = arith.select %lt3A_303, %min3A_207, %sub3A_103 : vector<16xi1>, vector<16xf32>
    %select_n3A_304 = arith.select %lt3A_303, %neg3A_135, %min3A_207 : vector<16xi1>, vector<16xf32>
    %select_n3A_305 = arith.select %lt3A_303, %sub3A_261, %broadcast_in_dim3A_209 : vector<16xi1>, vector<16xf32>
    %select_n3A_306 = arith.select %lt3A_303, %broadcast_in_dim3A_211, %sub3A_261 : vector<16xi1>, vector<16xf32>
    %div3A = arith.divf %sub3A_261, %sub3A_301 : vector<16xf32>
    %sub3A_307 = arith.subf %min3A_207, %div3A : vector<16xf32>
    %mul3A_308 = arith.mulf %select_n3A, %select_n3A_306 : vector<16xf32>
    %mul3A_309 = arith.mulf %select_n3A_304, %select_n3A_305 : vector<16xf32>
    %sub3A_310 = arith.subf %mul3A_308, %mul3A_309 : vector<16xf32>
    %sub3A_311 = arith.subf %select_n3A_306, %select_n3A_305 : vector<16xf32>
    %div3A_312 = arith.divf %sub3A_310, %sub3A_311 : vector<16xf32>
    %ge3A = arith.cmpf oge, %sub3A_307, %select_n3A : vector<16xf32>
    %le3A = arith.cmpf ole, %sub3A_307, %select_n3A_304 : vector<16xf32>
    %and3A_313 = arith.andi %ge3A, %le3A : vector<16xi1>
    %select_n3A_314 = arith.select %and3A_313, %sub3A_307, %div3A_312 : vector<16xi1>, vector<16xf32>
    %neg3A_315 = arith.constant 0.000000e+00 : f32
    %neg3A_316 = vector.broadcast %neg3A_315 : f32 to vector<16xf32>
    %neg3A_317 = arith.subf %neg3A_316, %select_n3A_314 : vector<16xf32>
    %exp3A_318 = math.exp %neg3A_317 : vector<16xf32>
    %scan3A_319 = arith.constant 0 : i32
    %scan3A_320 = arith.constant 0 : i32
    %scan3A_321 = arith.constant 32 : i32
    %scan3A_322 = arith.addi %scan3A_320, %scan3A_321 : i32
    %scan3A_323 = arith.constant 1 : i32
    scf.for %scan3A_371 = %scan3A_320 to %scan3A_322 step %scan3A_323  : i32 {
      %mul3A_372 = arith.constant 128 : i32
      %mul3A_373 = arith.muli %scan3A_371, %mul3A_372 : i32
      %add3A_374 = arith.constant 0 : i32
      %add3A_375 = arith.addi %mul3A_373, %add3A_374 : i32
      %get3A = arith.index_cast %add3A_375 : i32 to index
      %get3A_376 = tpu.vector_load %arg4[%get3A] {strides = array<i32>} : memref<8192xf32, #tpu.memory_space<vmem>>, vector<16xf32>,
      %get3A_377 = vector.shape_cast %get3A_376 : vector<16xf32> to vector<16xf32>
      %add3A_378 = arith.addf %get3A_377, %exp3A_318 : vector<16xf32>
      %div3A_379 = arith.divf %get3A_377, %add3A_378 : vector<16xf32>
      %swap3A = arith.index_cast %add3A_375 : i32 to index
      %swap3A_380 = tpu.vector_load %arg4[%swap3A] {strides = array<i32>} : memref<8192xf32, #tpu.memory_space<vmem>>, vector<16xf32>,
      %swap3A_381 = vector.shape_cast %swap3A_380 : vector<16xf32> to vector<16xf32>
      %swap3A_382 = vector.shape_cast %div3A_379 : vector<16xf32> to vector<16xf32>
      tpu.vector_store %arg4[%swap3A], %swap3A_382 {strides = array<i32>} : memref<8192xf32, #tpu.memory_space<vmem>>, vector<16xf32>,
      %add3A_383 = arith.constant 16 : i32
      %add3A_384 = arith.addi %mul3A_373, %add3A_383 : i32
      %get3A_385 = arith.index_cast %add3A_384 : i32 to index
      %get3A_386 = tpu.vector_load %arg4[%get3A_385] {strides = array<i32>} : memref<8192xf32, #tpu.memory_space<vmem>>, vector<16xf32>,
      %get3A_387 = vector.shape_cast %get3A_386 : vector<16xf32> to vector<16xf32>
      %add3A_388 = arith.addf %get3A_387, %exp3A_318 : vector<16xf32>
      %div3A_389 = arith.divf %get3A_387, %add3A_388 : vector<16xf32>
      %swap3A_390 = arith.index_cast %add3A_384 : i32 to index
      %swap3A_391 = tpu.vector_load %arg4[%swap3A_390] {strides = array<i32>} : memref<8192xf32, #tpu.memory_space<vmem>>, vector<16xf32>,
      %swap3A_392 = vector.shape_cast %swap3A_391 : vector<16xf32> to vector<16xf32>
      %swap3A_393 = vector.shape_cast %div3A_389 : vector<16xf32> to vector<16xf32>
      tpu.vector_store %arg4[%swap3A_390], %swap3A_393 {strides = array<i32>} : memref<8192xf32, #tpu.memory_space<vmem>>, vector<16xf32>,
      %add3A_394 = arith.constant 32 : i32
      %add3A_395 = arith.addi %mul3A_373, %add3A_394 : i32
      %get3A_396 = arith.index_cast %add3A_395 : i32 to index
      %get3A_397 = tpu.vector_load %arg4[%get3A_396] {strides = array<i32>} : memref<8192xf32, #tpu.memory_space<vmem>>, vector<16xf32>,
      %get3A_398 = vector.shape_cast %get3A_397 : vector<16xf32> to vector<16xf32>
      %add3A_399 = arith.addf %get3A_398, %exp3A_318 : vector<16xf32>
      %div3A_400 = arith.divf %get3A_398, %add3A_399 : vector<16xf32>
      %swap3A_401 = arith.index_cast %add3A_395 : i32 to index
      %swap3A_402 = tpu.vector_load %arg4[%swap3A_401] {strides = array<i32>} : memref<8192xf32, #tpu.memory_space<vmem>>, vector<16xf32>,
      %swap3A_403 = vector.shape_cast %swap3A_402 : vector<16xf32> to vector<16xf32>
      %swap3A_404 = vector.shape_cast %div3A_400 : vector<16xf32> to vector<16xf32>
      tpu.vector_store %arg4[%swap3A_401], %swap3A_404 {strides = array<i32>} : memref<8192xf32, #tpu.memory_space<vmem>>, vector<16xf32>,
      %add3A_405 = arith.constant 48 : i32
      %add3A_406 = arith.addi %mul3A_373, %add3A_405 : i32
      %get3A_407 = arith.index_cast %add3A_406 : i32 to index
      %get3A_408 = tpu.vector_load %arg4[%get3A_407] {strides = array<i32>} : memref<8192xf32, #tpu.memory_space<vmem>>, vector<16xf32>,
      %get3A_409 = vector.shape_cast %get3A_408 : vector<16xf32> to vector<16xf32>
      %add3A_410 = arith.addf %get3A_409, %exp3A_318 : vector<16xf32>
      %div3A_411 = arith.divf %get3A_409, %add3A_410 : vector<16xf32>
      %swap3A_412 = arith.index_cast %add3A_406 : i32 to index
      %swap3A_413 = tpu.vector_load %arg4[%swap3A_412] {strides = array<i32>} : memref<8192xf32, #tpu.memory_space<vmem>>, vector<16xf32>,
      %swap3A_414 = vector.shape_cast %swap3A_413 : vector<16xf32> to vector<16xf32>
      %swap3A_415 = vector.shape_cast %div3A_411 : vector<16xf32> to vector<16xf32>
      tpu.vector_store %arg4[%swap3A_412], %swap3A_415 {strides = array<i32>} : memref<8192xf32, #tpu.memory_space<vmem>>, vector<16xf32>,
      %add3A_416 = arith.constant 64 : i32
      %add3A_417 = arith.addi %mul3A_373, %add3A_416 : i32
      %get3A_418 = arith.index_cast %add3A_417 : i32 to index
      %get3A_419 = tpu.vector_load %arg4[%get3A_418] {strides = array<i32>} : memref<8192xf32, #tpu.memory_space<vmem>>, vector<16xf32>,
      %get3A_420 = vector.shape_cast %get3A_419 : vector<16xf32> to vector<16xf32>
      %add3A_421 = arith.addf %get3A_420, %exp3A_318 : vector<16xf32>
      %div3A_422 = arith.divf %get3A_420, %add3A_421 : vector<16xf32>
      %swap3A_423 = arith.index_cast %add3A_417 : i32 to index
      %swap3A_424 = tpu.vector_load %arg4[%swap3A_423] {strides = array<i32>} : memref<8192xf32, #tpu.memory_space<vmem>>, vector<16xf32>,
      %swap3A_425 = vector.shape_cast %swap3A_424 : vector<16xf32> to vector<16xf32>
      %swap3A_426 = vector.shape_cast %div3A_422 : vector<16xf32> to vector<16xf32>
      tpu.vector_store %arg4[%swap3A_423], %swap3A_426 {strides = array<i32>} : memref<8192xf32, #tpu.memory_space<vmem>>, vector<16xf32>,
      %add3A_427 = arith.constant 80 : i32
      %add3A_428 = arith.addi %mul3A_373, %add3A_427 : i32
      %get3A_429 = arith.index_cast %add3A_428 : i32 to index
      %get3A_430 = tpu.vector_load %arg4[%get3A_429] {strides = array<i32>} : memref<8192xf32, #tpu.memory_space<vmem>>, vector<16xf32>,
      %get3A_431 = vector.shape_cast %get3A_430 : vector<16xf32> to vector<16xf32>
      %add3A_432 = arith.addf %get3A_431, %exp3A_318 : vector<16xf32>
      %div3A_433 = arith.divf %get3A_431, %add3A_432 : vector<16xf32>
      %swap3A_434 = arith.index_cast %add3A_428 : i32 to index
      %swap3A_435 = tpu.vector_load %arg4[%swap3A_434] {strides = array<i32>} : memref<8192xf32, #tpu.memory_space<vmem>>, vector<16xf32>,
      %swap3A_436 = vector.shape_cast %swap3A_435 : vector<16xf32> to vector<16xf32>
      %swap3A_437 = vector.shape_cast %div3A_433 : vector<16xf32> to vector<16xf32>
      tpu.vector_store %arg4[%swap3A_434], %swap3A_437 {strides = array<i32>} : memref<8192xf32, #tpu.memory_space<vmem>>, vector<16xf32>,
      %add3A_438 = arith.constant 96 : i32
      %add3A_439 = arith.addi %mul3A_373, %add3A_438 : i32
      %get3A_440 = arith.index_cast %add3A_439 : i32 to index
      %get3A_441 = tpu.vector_load %arg4[%get3A_440] {strides = array<i32>} : memref<8192xf32, #tpu.memory_space<vmem>>, vector<16xf32>,
      %get3A_442 = vector.shape_cast %get3A_441 : vector<16xf32> to vector<16xf32>
      %add3A_443 = arith.addf %get3A_442, %exp3A_318 : vector<16xf32>
      %div3A_444 = arith.divf %get3A_442, %add3A_443 : vector<16xf32>
      %swap3A_445 = arith.index_cast %add3A_439 : i32 to index
      %swap3A_446 = tpu.vector_load %arg4[%swap3A_445] {strides = array<i32>} : memref<8192xf32, #tpu.memory_space<vmem>>, vector<16xf32>,
      %swap3A_447 = vector.shape_cast %swap3A_446 : vector<16xf32> to vector<16xf32>
      %swap3A_448 = vector.shape_cast %div3A_444 : vector<16xf32> to vector<16xf32>
      tpu.vector_store %arg4[%swap3A_445], %swap3A_448 {strides = array<i32>} : memref<8192xf32, #tpu.memory_space<vmem>>, vector<16xf32>,
      %add3A_449 = arith.constant 112 : i32
      %add3A_450 = arith.addi %mul3A_373, %add3A_449 : i32
      %get3A_451 = arith.index_cast %add3A_450 : i32 to index
      %get3A_452 = tpu.vector_load %arg4[%get3A_451] {strides = array<i32>} : memref<8192xf32, #tpu.memory_space<vmem>>, vector<16xf32>,
      %get3A_453 = vector.shape_cast %get3A_452 : vector<16xf32> to vector<16xf32>
      %add3A_454 = arith.addf %get3A_453, %exp3A_318 : vector<16xf32>
      %div3A_455 = arith.divf %get3A_453, %add3A_454 : vector<16xf32>
      %swap3A_456 = arith.index_cast %add3A_450 : i32 to index
      %swap3A_457 = tpu.vector_load %arg4[%swap3A_456] {strides = array<i32>} : memref<8192xf32, #tpu.memory_space<vmem>>, vector<16xf32>,
      %swap3A_458 = vector.shape_cast %swap3A_457 : vector<16xf32> to vector<16xf32>
      %swap3A_459 = vector.shape_cast %div3A_455 : vector<16xf32> to vector<16xf32>
      tpu.vector_store %arg4[%swap3A_456], %swap3A_459 {strides = array<i32>} : memref<8192xf32, #tpu.memory_space<vmem>>, vector<16xf32>,
    }
    %scan3A_324 = arith.constant 32 : i32
    %dma_start3A_325 = arith.constant 0 : i32
    %dma_start3A_326 = tpu.memref_slice %arg4[%dma_start3A_325] : memref<8192xf32, #tpu.memory_space<vmem>> -> memref<4096xf32, #tpu.memory_space<vmem>>
    %dma_start3A_327 = arith.constant 0 : i32
    %dma_start3A_328 = tpu.memref_slice %arg3[%add3A, %dma_start3A_327] : memref<32x8192xf32, #tpu.memory_space<hbm>> -> memref<1x4096xf32, #tpu.memory_space<hbm>>
    %dma_start3A_329 = tpu.memref_squeeze %dma_start3A_328 : memref<1x4096xf32, #tpu.memory_space<hbm>> -> memref<4096xf32, #tpu.memory_space<hbm>>
    %dma_start3A_330 = arith.constant 0 : i32
    %dma_start3A_331 = tpu.memref_slice %arg3[%add3A, %dma_start3A_330] : memref<32x8192xf32, #tpu.memory_space<hbm>> -> memref<1x4096xf32, #tpu.memory_space<hbm>>
    %dma_start3A_332 = tpu.memref_squeeze %dma_start3A_331 : memref<1x4096xf32, #tpu.memory_space<hbm>> -> memref<4096xf32, #tpu.memory_space<hbm>>
    %dma_start3A_333 = arith.constant 0 : i32
    %dma_start3A_334 = tpu.memref_slice %arg4[%dma_start3A_333] : memref<8192xf32, #tpu.memory_space<vmem>> -> memref<4096xf32, #tpu.memory_space<vmem>>
    tpu.enqueue_dma source(%dma_start3A_334 : memref<4096xf32, #tpu.memory_space<vmem>>) target(%dma_start3A_332 : memref<4096xf32, #tpu.memory_space<hbm>>) target_semaphore(%arg5 : memref<!tpu.dma_semaphore, #tpu.memory_space<semaphore_mem>>)
    %scan3A_335 = arith.constant 0 : i32
    %scan3A_336 = arith.constant 32 : i32
    %scan3A_337 = arith.constant 32 : i32
    %scan3A_338 = arith.addi %scan3A_336, %scan3A_337 : i32
    %scan3A_339 = arith.constant 1 : i32
    scf.for %scan3A_371 = %scan3A_336 to %scan3A_338 step %scan3A_339  : i32 {
      %mul3A_372 = arith.constant 128 : i32
      %mul3A_373 = arith.muli %scan3A_371, %mul3A_372 : i32
      %add3A_374 = arith.constant 0 : i32
      %add3A_375 = arith.addi %mul3A_373, %add3A_374 : i32
      %get3A = arith.index_cast %add3A_375 : i32 to index
      %get3A_376 = tpu.vector_load %arg4[%get3A] {strides = array<i32>} : memref<8192xf32, #tpu.memory_space<vmem>>, vector<16xf32>,
      %get3A_377 = vector.shape_cast %get3A_376 : vector<16xf32> to vector<16xf32>
      %add3A_378 = arith.addf %get3A_377, %exp3A_318 : vector<16xf32>
      %div3A_379 = arith.divf %get3A_377, %add3A_378 : vector<16xf32>
      %swap3A = arith.index_cast %add3A_375 : i32 to index
      %swap3A_380 = tpu.vector_load %arg4[%swap3A] {strides = array<i32>} : memref<8192xf32, #tpu.memory_space<vmem>>, vector<16xf32>,
      %swap3A_381 = vector.shape_cast %swap3A_380 : vector<16xf32> to vector<16xf32>
      %swap3A_382 = vector.shape_cast %div3A_379 : vector<16xf32> to vector<16xf32>
      tpu.vector_store %arg4[%swap3A], %swap3A_382 {strides = array<i32>} : memref<8192xf32, #tpu.memory_space<vmem>>, vector<16xf32>,
      %add3A_383 = arith.constant 16 : i32
      %add3A_384 = arith.addi %mul3A_373, %add3A_383 : i32
      %get3A_385 = arith.index_cast %add3A_384 : i32 to index
      %get3A_386 = tpu.vector_load %arg4[%get3A_385] {strides = array<i32>} : memref<8192xf32, #tpu.memory_space<vmem>>, vector<16xf32>,
      %get3A_387 = vector.shape_cast %get3A_386 : vector<16xf32> to vector<16xf32>
      %add3A_388 = arith.addf %get3A_387, %exp3A_318 : vector<16xf32>
      %div3A_389 = arith.divf %get3A_387, %add3A_388 : vector<16xf32>
      %swap3A_390 = arith.index_cast %add3A_384 : i32 to index
      %swap3A_391 = tpu.vector_load %arg4[%swap3A_390] {strides = array<i32>} : memref<8192xf32, #tpu.memory_space<vmem>>, vector<16xf32>,
      %swap3A_392 = vector.shape_cast %swap3A_391 : vector<16xf32> to vector<16xf32>
      %swap3A_393 = vector.shape_cast %div3A_389 : vector<16xf32> to vector<16xf32>
      tpu.vector_store %arg4[%swap3A_390], %swap3A_393 {strides = array<i32>} : memref<8192xf32, #tpu.memory_space<vmem>>, vector<16xf32>,
      %add3A_394 = arith.constant 32 : i32
      %add3A_395 = arith.addi %mul3A_373, %add3A_394 : i32
      %get3A_396 = arith.index_cast %add3A_395 : i32 to index
      %get3A_397 = tpu.vector_load %arg4[%get3A_396] {strides = array<i32>} : memref<8192xf32, #tpu.memory_space<vmem>>, vector<16xf32>,
      %get3A_398 = vector.shape_cast %get3A_397 : vector<16xf32> to vector<16xf32>
      %add3A_399 = arith.addf %get3A_398, %exp3A_318 : vector<16xf32>
      %div3A_400 = arith.divf %get3A_398, %add3A_399 : vector<16xf32>
      %swap3A_401 = arith.index_cast %add3A_395 : i32 to index
      %swap3A_402 = tpu.vector_load %arg4[%swap3A_401] {strides = array<i32>} : memref<8192xf32, #tpu.memory_space<vmem>>, vector<16xf32>,
      %swap3A_403 = vector.shape_cast %swap3A_402 : vector<16xf32> to vector<16xf32>
      %swap3A_404 = vector.shape_cast %div3A_400 : vector<16xf32> to vector<16xf32>
      tpu.vector_store %arg4[%swap3A_401], %swap3A_404 {strides = array<i32>} : memref<8192xf32, #tpu.memory_space<vmem>>, vector<16xf32>,
      %add3A_405 = arith.constant 48 : i32
      %add3A_406 = arith.addi %mul3A_373, %add3A_405 : i32
      %get3A_407 = arith.index_cast %add3A_406 : i32 to index
      %get3A_408 = tpu.vector_load %arg4[%get3A_407] {strides = array<i32>} : memref<8192xf32, #tpu.memory_space<vmem>>, vector<16xf32>,
      %get3A_409 = vector.shape_cast %get3A_408 : vector<16xf32> to vector<16xf32>
      %add3A_410 = arith.addf %get3A_409, %exp3A_318 : vector<16xf32>
      %div3A_411 = arith.divf %get3A_409, %add3A_410 : vector<16xf32>
      %swap3A_412 = arith.index_cast %add3A_406 : i32 to index
      %swap3A_413 = tpu.vector_load %arg4[%swap3A_412] {strides = array<i32>} : memref<8192xf32, #tpu.memory_space<vmem>>, vector<16xf32>,
      %swap3A_414 = vector.shape_cast %swap3A_413 : vector<16xf32> to vector<16xf32>
      %swap3A_415 = vector.shape_cast %div3A_411 : vector<16xf32> to vector<16xf32>
      tpu.vector_store %arg4[%swap3A_412], %swap3A_415 {strides = array<i32>} : memref<8192xf32, #tpu.memory_space<vmem>>, vector<16xf32>,
      %add3A_416 = arith.constant 64 : i32
      %add3A_417 = arith.addi %mul3A_373, %add3A_416 : i32
      %get3A_418 = arith.index_cast %add3A_417 : i32 to index
      %get3A_419 = tpu.vector_load %arg4[%get3A_418] {strides = array<i32>} : memref<8192xf32, #tpu.memory_space<vmem>>, vector<16xf32>,
      %get3A_420 = vector.shape_cast %get3A_419 : vector<16xf32> to vector<16xf32>
      %add3A_421 = arith.addf %get3A_420, %exp3A_318 : vector<16xf32>
      %div3A_422 = arith.divf %get3A_420, %add3A_421 : vector<16xf32>
      %swap3A_423 = arith.index_cast %add3A_417 : i32 to index
      %swap3A_424 = tpu.vector_load %arg4[%swap3A_423] {strides = array<i32>} : memref<8192xf32, #tpu.memory_space<vmem>>, vector<16xf32>,
      %swap3A_425 = vector.shape_cast %swap3A_424 : vector<16xf32> to vector<16xf32>
      %swap3A_426 = vector.shape_cast %div3A_422 : vector<16xf32> to vector<16xf32>
      tpu.vector_store %arg4[%swap3A_423], %swap3A_426 {strides = array<i32>} : memref<8192xf32, #tpu.memory_space<vmem>>, vector<16xf32>,
      %add3A_427 = arith.constant 80 : i32
      %add3A_428 = arith.addi %mul3A_373, %add3A_427 : i32
      %get3A_429 = arith.index_cast %add3A_428 : i32 to index
      %get3A_430 = tpu.vector_load %arg4[%get3A_429] {strides = array<i32>} : memref<8192xf32, #tpu.memory_space<vmem>>, vector<16xf32>,
      %get3A_431 = vector.shape_cast %get3A_430 : vector<16xf32> to vector<16xf32>
      %add3A_432 = arith.addf %get3A_431, %exp3A_318 : vector<16xf32>
      %div3A_433 = arith.divf %get3A_431, %add3A_432 : vector<16xf32>
      %swap3A_434 = arith.index_cast %add3A_428 : i32 to index
      %swap3A_435 = tpu.vector_load %arg4[%swap3A_434] {strides = array<i32>} : memref<8192xf32, #tpu.memory_space<vmem>>, vector<16xf32>,
      %swap3A_436 = vector.shape_cast %swap3A_435 : vector<16xf32> to vector<16xf32>
      %swap3A_437 = vector.shape_cast %div3A_433 : vector<16xf32> to vector<16xf32>
      tpu.vector_store %arg4[%swap3A_434], %swap3A_437 {strides = array<i32>} : memref<8192xf32, #tpu.memory_space<vmem>>, vector<16xf32>,
      %add3A_438 = arith.constant 96 : i32
      %add3A_439 = arith.addi %mul3A_373, %add3A_438 : i32
      %get3A_440 = arith.index_cast %add3A_439 : i32 to index
      %get3A_441 = tpu.vector_load %arg4[%get3A_440] {strides = array<i32>} : memref<8192xf32, #tpu.memory_space<vmem>>, vector<16xf32>,
      %get3A_442 = vector.shape_cast %get3A_441 : vector<16xf32> to vector<16xf32>
      %add3A_443 = arith.addf %get3A_442, %exp3A_318 : vector<16xf32>
      %div3A_444 = arith.divf %get3A_442, %add3A_443 : vector<16xf32>
      %swap3A_445 = arith.index_cast %add3A_439 : i32 to index
      %swap3A_446 = tpu.vector_load %arg4[%swap3A_445] {strides = array<i32>} : memref<8192xf32, #tpu.memory_space<vmem>>, vector<16xf32>,
      %swap3A_447 = vector.shape_cast %swap3A_446 : vector<16xf32> to vector<16xf32>
      %swap3A_448 = vector.shape_cast %div3A_444 : vector<16xf32> to vector<16xf32>
      tpu.vector_store %arg4[%swap3A_445], %swap3A_448 {strides = array<i32>} : memref<8192xf32, #tpu.memory_space<vmem>>, vector<16xf32>,
      %add3A_449 = arith.constant 112 : i32
      %add3A_450 = arith.addi %mul3A_373, %add3A_449 : i32
      %get3A_451 = arith.index_cast %add3A_450 : i32 to index
      %get3A_452 = tpu.vector_load %arg4[%get3A_451] {strides = array<i32>} : memref<8192xf32, #tpu.memory_space<vmem>>, vector<16xf32>,
      %get3A_453 = vector.shape_cast %get3A_452 : vector<16xf32> to vector<16xf32>
      %add3A_454 = arith.addf %get3A_453, %exp3A_318 : vector<16xf32>
      %div3A_455 = arith.divf %get3A_453, %add3A_454 : vector<16xf32>
      %swap3A_456 = arith.index_cast %add3A_450 : i32 to index
      %swap3A_457 = tpu.vector_load %arg4[%swap3A_456] {strides = array<i32>} : memref<8192xf32, #tpu.memory_space<vmem>>, vector<16xf32>,
      %swap3A_458 = vector.shape_cast %swap3A_457 : vector<16xf32> to vector<16xf32>
      %swap3A_459 = vector.shape_cast %div3A_455 : vector<16xf32> to vector<16xf32>
      tpu.vector_store %arg4[%swap3A_456], %swap3A_459 {strides = array<i32>} : memref<8192xf32, #tpu.memory_space<vmem>>, vector<16xf32>,
    }
    %scan3A_340 = arith.constant 32 : i32
    %dma_start3A_341 = arith.constant 4096 : i32
    %dma_start3A_342 = tpu.memref_slice %arg4[%dma_start3A_341] : memref<8192xf32, #tpu.memory_space<vmem>> -> memref<4096xf32, #tpu.memory_space<vmem>>
    %dma_start3A_343 = arith.constant 4096 : i32
    %dma_start3A_344 = tpu.memref_slice %arg3[%add3A, %dma_start3A_343] : memref<32x8192xf32, #tpu.memory_space<hbm>> -> memref<1x4096xf32, #tpu.memory_space<hbm>>
    %dma_start3A_345 = tpu.memref_squeeze %dma_start3A_344 : memref<1x4096xf32, #tpu.memory_space<hbm>> -> memref<4096xf32, #tpu.memory_space<hbm>>
    %dma_start3A_346 = arith.constant 4096 : i32
    %dma_start3A_347 = tpu.memref_slice %arg3[%add3A, %dma_start3A_346] : memref<32x8192xf32, #tpu.memory_space<hbm>> -> memref<1x4096xf32, #tpu.memory_space<hbm>>
    %dma_start3A_348 = tpu.memref_squeeze %dma_start3A_347 : memref<1x4096xf32, #tpu.memory_space<hbm>> -> memref<4096xf32, #tpu.memory_space<hbm>>
    %dma_start3A_349 = arith.constant 4096 : i32
    %dma_start3A_350 = tpu.memref_slice %arg4[%dma_start3A_349] : memref<8192xf32, #tpu.memory_space<vmem>> -> memref<4096xf32, #tpu.memory_space<vmem>>
    tpu.enqueue_dma source(%dma_start3A_350 : memref<4096xf32, #tpu.memory_space<vmem>>) target(%dma_start3A_348 : memref<4096xf32, #tpu.memory_space<hbm>>) target_semaphore(%arg6 : memref<!tpu.dma_semaphore, #tpu.memory_space<semaphore_mem>>)
    %dma_wait3A_351 = arith.constant 0 : i32
    %dma_wait3A_352 = tpu.memref_slice %arg4[%dma_wait3A_351] : memref<8192xf32, #tpu.memory_space<vmem>> -> memref<4096xf32, #tpu.memory_space<vmem>>
    %dma_wait3A_353 = arith.constant 0 : i32
    %dma_wait3A_354 = tpu.memref_slice %arg3[%add3A, %dma_wait3A_353] : memref<32x8192xf32, #tpu.memory_space<hbm>> -> memref<1x4096xf32, #tpu.memory_space<hbm>>
    %dma_wait3A_355 = tpu.memref_squeeze %dma_wait3A_354 : memref<1x4096xf32, #tpu.memory_space<hbm>> -> memref<4096xf32, #tpu.memory_space<hbm>>
    %dma_wait3A_356 = arith.constant 0 : i32
    %dma_wait3A_357 = tpu.memref_slice %arg3[%add3A, %dma_wait3A_356] : memref<32x8192xf32, #tpu.memory_space<hbm>> -> memref<1x4096xf32, #tpu.memory_space<hbm>>
    %dma_wait3A_358 = tpu.memref_squeeze %dma_wait3A_357 : memref<1x4096xf32, #tpu.memory_space<hbm>> -> memref<4096xf32, #tpu.memory_space<hbm>>
    %dma_wait3A_359 = arith.constant 0 : i32
    %dma_wait3A_360 = tpu.memref_slice %arg4[%dma_wait3A_359] : memref<8192xf32, #tpu.memory_space<vmem>> -> memref<4096xf32, #tpu.memory_space<vmem>>
    tpu.wait_dma2 semaphore(%arg5 : memref<!tpu.dma_semaphore, #tpu.memory_space<semaphore_mem>>) src(%dma_wait3A_360 : memref<4096xf32, #tpu.memory_space<vmem>>) dst(%dma_wait3A_358 : memref<4096xf32, #tpu.memory_space<hbm>>)
    %dma_wait3A_361 = arith.constant 4096 : i32
    %dma_wait3A_362 = tpu.memref_slice %arg4[%dma_wait3A_361] : memref<8192xf32, #tpu.memory_space<vmem>> -> memref<4096xf32, #tpu.memory_space<vmem>>
    %dma_wait3A_363 = arith.constant 4096 : i32
    %dma_wait3A_364 = tpu.memref_slice %arg3[%add3A, %dma_wait3A_363] : memref<32x8192xf32, #tpu.memory_space<hbm>> -> memref<1x4096xf32, #tpu.memory_space<hbm>>
    %dma_wait3A_365 = tpu.memref_squeeze %dma_wait3A_364 : memref<1x4096xf32, #tpu.memory_space<hbm>> -> memref<4096xf32, #tpu.memory_space<hbm>>
    %dma_wait3A_366 = arith.constant 4096 : i32
    %dma_wait3A_367 = tpu.memref_slice %arg3[%add3A, %dma_wait3A_366] : memref<32x8192xf32, #tpu.memory_space<hbm>> -> memref<1x4096xf32, #tpu.memory_space<hbm>>
    %dma_wait3A_368 = tpu.memref_squeeze %dma_wait3A_367 : memref<1x4096xf32, #tpu.memory_space<hbm>> -> memref<4096xf32, #tpu.memory_space<hbm>>
    %dma_wait3A_369 = arith.constant 4096 : i32
    %dma_wait3A_370 = tpu.memref_slice %arg4[%dma_wait3A_369] : memref<8192xf32, #tpu.memory_space<vmem>> -> memref<4096xf32, #tpu.memory_space<vmem>>
    tpu.wait_dma2 semaphore(%arg6 : memref<!tpu.dma_semaphore, #tpu.memory_space<semaphore_mem>>) src(%dma_wait3A_370 : memref<4096xf32, #tpu.memory_space<vmem>>) dst(%dma_wait3A_368 : memref<4096xf32, #tpu.memory_space<hbm>>)
    return
  }
}

</mosaic_0001>

<sc_bundles>
// kernel: kernel.3.cloned.1.call-start
scs
__scs_entry_jumppad:
0x0: {  	(pc) =	sbr.rel $0x88, $3  }
0x1: {  	(tag) =	ssettag $0x0;
	lr =	simm.s32 $0x1  }
0x2: {  	[smem:$0x3FA0] =	sst lr;
	_ =	strace $0xD0000000  }
0x3: {  	_ = 	snop  }
0x4: {  	_ = 	snop  }
0x5: {  	_ = 	snop  }
0x6: {  	_ = 	snop  }
0x7: {  	_ = 	snop  }
__scs_overlays_trampoline_lowered:
0x8: {  	[smem:$0x3FAF] =	sst s0  }
0x9: {  	[smem:$0x3FB0] =	sst s1  }
0xa: {  	[smem:$0x3FB1] =	sst s2  }
0xb: {  	[smem:$0x3FB2] =	sst s3  }
0xc: {  	[smem:$0x3FB3] =	sst s4  }
0xd: {  	[smem:$0x3FB4] =	sst s5  }
0xe: {  	[smem:$0x3FB5] =	sst s6  }
0xf: {  	[smem:$0x3FB6] =	sst s7  }
0x10: {  	[smem:$0x3FB7] =	sst s8  }
0x11: {  	[smem:$0x3FB8] =	sst s9;
	s0 =	simm.s32 @!p0 $0x0  }
0x12: {  	s1 =	sld [smem:$0x3F9E];
	s0 =	simm.s32 @p0 $0x1  }
0x13: {  	[smem:$0x3FB9] =	sst s0;
	s0 =	simm.s32 @!p1 $0x0  }
0x14: {  	s2 =	sld [smem:$0x3F9D];
	s0 =	simm.s32 @p1 $0x1  }
0x15: {  	[smem:$0x3FBA] =	sst s0;
	s0 =	simm.s32 @!p2 $0x0  }
0x16: {  	s3 =	sld [smem:$0x3FDB];
	s0 =	simm.s32 @p2 $0x1  }
0x17: {  	s4 =	simm.s32 $0x1BF5;
	[smem:$0x3FBC] =	sst s0  }
0x18: {  	s0 =	sld [smem:$0x3F9F];
	_ =	swait.ge [sflag:s4], $0x0  }
0x19: {  	s7 =	sld [smem:$0x3FA0]  }
0x1a: {  	s8 =	sadd.s32 $0xFFFFE003, lr  }
0x1b: {  	s9 =	sadd.s32 $0xFFFFFEF7, lr;
	s5 =	simm.s32 $0xFFFFFFFF;
	p2 =	slt.u32 s8, $0xFFFFF086  }
0x1c: {  	p1 =	slt.u32 s9, $0xF7A;
	s5 =	simm.s32 @!p2 $0x0  }
0x1d: {  	s5 =	simm.s32 @p1 $0x1;
	p0 =	seq.s32 s7, s2  }
0x1e: {  	s7 =	smul.u32 @!p0 $0xF7A, s2;
	p2 =	seq.s32 @!p0 s5, $0x0  }
0x1f: {  	s9 =	smul.u32 $0xF7A, s1;
	s8 =	simm.s32 @!p0 $0x1BF5;
	p2 =	por !p2, p0  }
0x20: {  	[sflag:s8] =	ssyncset.s32 @!p0 $0xFFFFF086;
	s6 =	sadd.s32 @!p0 s3, s7;
	s7 =	simm.s32 @!p0 $0x108  }
0x21: {  	s3 =	sadd.s32 s3, s9;
	s6 =	sadd.s32 @!p0 $0x88, s6;
	s7 =	simm.s32 @p2 $0x1082  }
0x22: {  	[simem:s7], [sflag:s8] =	dma.local @!p0 [hbm:s6], $0xF7A  }
0x23: {  	s9 =	sor.u32 $0xD0000000, s2;
	s6 =	simm.s32 $0x108;
	_ =	swait.ge @!p0 [sflag:s8], $0x0  }
0x24: {  	s3 =	sadd.s32 $0x88, s3;
	s6 =	simm.s32 @!p1 $0x1082;
	[sflag:s4] =	ssyncset.s32 $0xFFFFF086  }
0x25: {  	[simem:s6], [sflag:s4] =	dma.local [hbm:s3], $0xF7A  }
0x26: {  	[smem:$0x3FA0] =	sst s1;
	(tag) =	ssettag s2;
	_ =	strace s9  }
0x27: {  	s1 =	sld [smem:$0x3FB0]  }
0x28: {  	s2 =	sld [smem:$0x3FB1]  }
0x29: {  	s4 =	sld [smem:$0x3FB3]  }
0x2a: {  	p0 =	seq.s32 s5, $0x0;
	s5 =	sld [smem:$0x3FB4]  }
0x2b: {  	s6 =	sld [smem:$0x3FB5]  }
0x2c: {  	s7 =	sld [smem:$0x3FB6]  }
0x2d: {  	s3 =	simm.s32 $0x108;
	s8 =	sld [smem:$0x3FB7]  }
0x2e: {  	s3 =	simm.s32 @!p0 $0x1082;
	s9 =	sld [smem:$0x3FB8]  }
0x2f: {  	lr =	sadd.s32 s0, s3;
	s0 =	sld [smem:$0x3FAF]  }
0x30: {  	s3 =	sld [smem:$0x3FB2]  }
0x31: {  	[smem:$0x3FBB] =	sst s10  }
0x32: {  	s10 =	sld [smem:$0x3FB9];
	_ =	sdelay $0x3  }
0x33: {  	p0 =	seq.s32 s10, $0x1;
	s10 =	sld [smem:$0x3FBB];
	_ =	sdelay $0x3  }
0x34: {  	[smem:$0x3FBB] =	sst s10  }
0x35: {  	s10 =	sld [smem:$0x3FBA];
	_ =	sdelay $0x3  }
0x36: {  	p1 =	seq.s32 s10, $0x1;
	s10 =	sld [smem:$0x3FBB];
	_ =	sdelay $0x3  }
0x37: {  	[smem:$0x3FBB] =	sst s10  }
0x38: {  	s10 =	sld [smem:$0x3FBC]  }
0x39: {  	_ = 	snop;
	(pc) =	sbr.ind lr, $3  }
0x3a: {  	_ = 	snop  }
0x3b: {  	_ = 	snop  }
0x3c: {  	p2 =	seq.s32 s10, $0x1;
	s10 =	sld [smem:$0x3FBB]  }
0x3d: {  	_ =	shalt  }
0x3e: {  	_ =	shalt  }
0x3f: {  	_ =	shalt  }
0x40: {  	_ =	shalt  }
0x41: {  	_ =	shalt  }
0x42: {  	_ =	shalt  }
0x43: {  	_ =	shalt  }
0x44: {  	_ =	shalt  }
0x45: {  	_ =	shalt  }
0x46: {  	_ =	shalt  }
0x47: {  	_ =	shalt  }
0x48: {  	_ =	shalt  }
0x49: {  	_ =	shalt  }
0x4a: {  	_ =	shalt  }
0x4b: {  	_ =	shalt  }
0x4c: {  	_ =	shalt  }
0x4d: {  	_ =	shalt  }
0x4e: {  	_ =	shalt  }
0x4f: {  	_ =	shalt  }
0x50: {  	_ =	shalt  }
0x51: {  	_ =	shalt  }
0x52: {  	_ =	shalt  }
0x53: {  	_ =	shalt  }
0x54: {  	_ =	shalt  }
0x55: {  	_ =	shalt  }
0x56: {  	_ =	shalt  }
0x57: {  	_ =	shalt  }
0x58: {  	_ =	shalt  }
0x59: {  	_ =	shalt  }
0x5a: {  	_ =	shalt  }
0x5b: {  	_ =	shalt  }
0x5c: {  	_ =	shalt  }
0x5d: {  	_ =	shalt  }
0x5e: {  	_ =	shalt  }
0x5f: {  	_ =	shalt  }
0x60: {  	_ =	shalt  }
0x61: {  	_ =	shalt  }
0x62: {  	_ =	shalt  }
0x63: {  	_ =	shalt  }
0x64: {  	_ =	shalt  }
0x65: {  	_ =	shalt  }
0x66: {  	_ =	shalt  }
0x67: {  	_ =	shalt  }
0x68: {  	_ =	shalt  }
0x69: {  	_ =	shalt  }
0x6a: {  	_ =	shalt  }
0x6b: {  	_ =	shalt  }
0x6c: {  	_ =	shalt  }
0x6d: {  	_ =	shalt  }
0x6e: {  	_ =	shalt  }
0x6f: {  	_ =	shalt  }
0x70: {  	_ =	shalt  }
0x71: {  	_ =	shalt  }
0x72: {  	_ =	shalt  }
0x73: {  	_ =	shalt  }
0x74: {  	_ =	shalt  }
0x75: {  	_ =	shalt  }
0x76: {  	_ =	shalt  }
0x77: {  	_ =	shalt  }
0x78: {  	_ =	shalt  }
0x79: {  	_ =	shalt  }
0x7a: {  	_ =	shalt  }
0x7b: {  	_ =	shalt  }
0x7c: {  	_ =	shalt  }
0x7d: {  	_ =	shalt  }
0x7e: {  	_ =	shalt  }
0x7f: {  	_ =	shalt  }
0x80: {  	_ =	shalt  }
0x81: {  	_ =	shalt  }
0x82: {  	_ =	shalt  }
0x83: {  	_ =	shalt  }
0x84: {  	_ =	shalt  }
0x85: {  	_ =	shalt  }
0x86: {  	_ =	shalt  }
0x87: {  	_ =	shalt  }
.Lfunc_end0:
.L_simem_size_0:
called_computation_lowered:
.L_overlay_start_0:
0x88: {  	s2 =	sld [smem:$0x3FD9]  }
0x89: {  	s3 =	sld [smem:$0x3FFE];
	_ =	sdelay $0x1  }
0x8a: {  	s1 =	srdreg.scid  }
0x8b: {  	s0 =	sand.u32 $0x1, s1  }
0x8c: {  	s18 =	sshll.u32 s0, $0xA;
	s2 =	sadd.s32 s3, s2  }
0x8d: {  	s2 =	sadd.s32 s2, s18  }
0x8e: {  	[smem:$0x3FC7] =	sst s2  }
0x8f: {  	_ = 	snop  }
0x90: {  	s2 =	sld [smem:$0x3FC9]  }
0x91: {  	s19 =	sld [smem:$0x3FD0];
	(tm) =	ssettm $0x1  }
0x92: {  	s4 =	sld [smem:$0x3FFB];
	_ =	sdelay $0x3  }
0x93: {  	_ =	strace s4  }
0x94: {  	s4 =	sld [smem:$0x3FFC];
	_ =	sdelay $0x3  }
0x95: {  	_ =	strace s4  }
0x96: {  	s4 =	sld [smem:$0x3FFD];
	_ =	sdelay $0x3  }
0x97: {  	_ =	strace s4  }
0x98: {  	_ =	strace $0x8FFFFFFF  }
0x99: {  	s20 =	sld [smem:$0x3FDB];
	_ =	sdelay $0x1  }
0x9a: {  	s5 =	simm.s32 $_scs_section_size  }
0x9b: {  	s6 =	simm.s32 $_size__tile_overlayer_lowered;
	s7 =	simm.s32 $_tile_overlayer_lowered  }
0x9c: {  	s23 =	simm.s32 $0x1BFF;
	s22 =	sshll.u32 s7, $0x1;
	s4 =	sadd.s32 s5, s20  }
0x9d: {  	s8 =	simm.s32 $0x0;
	s21 =	sshll.u32 s6, $0x1;
	s6 =	sadd.s32 s22, s4  }
0x9e: {  	[timem:s8], [sflag:s23] =	dma.local [hbm:s6], s21  }
0x9f: {  	_ =	swait.ge [sflag:s23], s21  }
0xa0: {  	s5 =	ssub.s32 $0x0, s21;
	[sflag:s23] =	ssyncset.done $0x0  }
0xa1: {  	[sflag:s23] =	ssyncadd.s32 s5;
	_ =	sdelay $0x1  }
0xa2: {  	s24 =	simm.s32 $0x1B8B  }
0xa3: {  	_ =	swait.ge [sflag:s24], $0x1  }
0xa4: {  	[sflag:s24] =	ssyncset.done $0x0  }
0xa5: {  	s25 =	simm.s32 $0x1B8E;
	[sflag:s24] =	ssyncadd.s32 $0xFFFFFFFF  }
0xa6: {  	s26 =	simm.s32 $execute0_lowered;
	[smem:$0x3FD2] =	sst s25  }
0xa7: {  	s5 =	sshll.u32 s26, $0x1;
	_ =	strace $0x80000046;
	[dreg:$0x1] =	wrdreg $0xFFFFFFFF  }
0xa8: {  	s28 =	simm.s32 $_size_execute0_lowered;
	s4 =	sadd.s32 s4, s5;
	[dreg:$0x0] =	wrdreg $0x0  }
0xa9: {  	s5 =	sshll.u32 s28, $0x1;
	[dreg:$0x2] =	wrdreg s4  }
0xaa: {  	[dreg:$0x3] =	wrdreg s5  }
0xab: {  	[dreg:$0x4] =	wrdreg $0xC0  }
0xac: {  	_ =	task [dreg:s8], $0x5FFFF  }
0xad: {  	[dreg:$0x1] =	wrdreg $0xFFFFFFFF  }
0xae: {  	[dreg:$0x0] =	wrdreg $0x60  }
0xaf: {  	[dreg:$0x2] =	wrdreg s2  }
0xb0: {  	[dreg:$0x3] =	wrdreg s19  }
0xb1: {  	[dreg:$0x4] =	wrdreg $0x9  }
0xb2: {  	_ =	task.clear_ibuf [dreg:s8], $0x5FFFF;
	_ =	strace $0x90000046  }
0xb3: {  	s29 =	simm.s32 $0x9;
	_ =	strace $0x80000048  }
0xb4: {  	_ =	swait.ge [sflag:s29], $0x1  }
0xb5: {  	[sflag:s29] =	ssyncadd.s32 $0xFFFFFFFF  }
0xb6: {  	_ =	strace $0x90000048  }
0xb7: {  	_ =	sfence  }
0xb8: {  	s30 =	sld [smem:$0x0];
	_ =	sdelay $0x2  }
0xb9: {  	s31 =	sshll.u32 s1, $0xD;
	s1 =	sshrl.u32 s1, $0x2  }
0xba: {  	s3 =	sand.u32 $0x4000, s31;
	s1 =	sadd.s32 s1, s30  }
0xbb: {  	s0 =	sor.u32 s3, s0;
	s1 =	sshll.u32 s1, $0x11  }
0xbc: {  	s0 =	sor.u32 s1, s0  }
0xbd: {  	s0 =	sadd.s32 $0x8F2B, s0  }
0xbe: {  	[sflag:s0] =	ssyncadd.remote.s32 $0x1  }
0xbf: {  	_ =	sfence.sel $0xFFFF  }
0xc0: {  	[dreg:$0x0] =	wrdreg $0xFFFFFFFF;
	(pc) =	sbr.abs _section_cstart, $3  }
0xc1: {  	[dreg:$0x1] =	wrdreg $0xFFFFFFFF  }
0xc2: {  	_ =	task.clear_ibuf [dreg:s8], $0x2FFFF;
	_ =	strace $0x9FFFFFFF  }
0xc3: {  	(tm) =	ssettm $0x7FFFFFFF  }
tec
execute0_lowered:
.L_overlay_start_1:
0x0: {  	(tag) =	ssettag $0x1  }
0x1: {  	v0 =	vimm.s32 $0xEFCDAB89;
	s4 =	rddreg [dreg:$0x0]  }
0x2: {  	v1 =	vimm.s32 $0x67452301;
	v2 =	vimm.s32 $0xDCFE98BA;
	s6 =	rddreg [dreg:$0x1];
	v3 =	vimm.s32 $0x54761032  }
0x3: {  	s2 =	srdreg.scid;
	s1 =	stileid.u32;
	v4 =	vimm.s32 $0xBA98FEDC;
	v5 =	vimm.s32 $0x32107654;
	v6 =	vimm.s32 $0xFEDCBA98  }
0x4: {  	s0 =	rddreg [dreg:$0x2];
	v7 =	vimm.s32 $0x76543210;
	s9 =	simm.s32 $0x400;
	s10 =	simm.s32 $0x1000;
	v0 =	vunpack.c.l.s4.s8 v0;
	v1 =	vunpack.c.l.s4.s8 v1  }
0x5: {  	s11 =	simm.s32 $0x1;
	s12 =	simm.s32 $0x2;
	s13 =	simm.s32 $0x0;
	v2 =	vunpack.c.l.s4.s8 v2;
	v3 =	vunpack.c.l.s4.s8 v3;
	v4 =	vunpack.c.l.s4.s8 v4  }
0x6: {  	s3 =	sand.u32 $0x1, s2;
	s29 =	sshll.u32 s1, $0x5;
	s5 =	sshll.u32 s1, $0xB;
	v5 =	vunpack.c.l.s4.s8 v5;
	v6 =	vunpack.c.l.s4.s8 v6;
	v7 =	vunpack.c.l.s4.s8 v7  }
0x7: {  	s2 =	simm.s32 $0x0;
	s7 =	sshll.u32 s3, $0x4;
	s8 =	sand.u32 $0x60, s29;
	v0 =	vunpack.c.0.s8.s32 v0;
	v1 =	vunpack.c.0.s8.s32 v1;
	v2 =	vunpack.c.0.s8.s32 v2  }
0x8: {  	s5 =	sand.u32 $0x6000, s5;
	[smem:$0x7FF] =	sst s2;
	s3 =	ssub.s32 $0x2, s3;
	v3 =	vunpack.c.0.s8.s32 v3;
	v4 =	vunpack.c.0.s8.s32 v4;
	v5 =	vunpack.c.0.s8.s32 v5  }
0x9: {  	s7 =	sor.u32 s7, s8;
	_ =	strace $0x80000047;
	s30 =	sshrl.u32 s3, $0x1;
	v0 =	vcombine.low v1, v0;
	v1 =	vunpack.c.0.s8.s32 v6  }
0xa: {  	s8 =	simm.s32 $0x80;
	s5 =	sor.u32 s5, s7;
	s7 =	ssub.s32 s3, s30;
	v2 =	vcombine.low v3, v2;
	v3 =	vcombine.low v5, v4;
	v4 =	vunpack.c.0.s8.s32 v7  }
0xb: {  	s31 =	sor.u32 $0x1000, s5;
	s3 =	sadd.s32 s4, s5;
	s5 =	sadd.s32 s6, s5;
	v0 =	vand.u32 $0xF, v0;
	v5 =	vand.u32 $0xF, v1  }
0xc: {  	s7 =	smax.u32 s7, $0x1;
	s4 =	sadd.s32 s4, s31;
	s6 =	sadd.s32 s6, s31;
	v1 =	vand.u32 $0xF, v2;
	v2 =	vand.u32 $0xF, v3;
	v3 =	vcombine.low v5, v4  }
.LBB2_1:
0xd: {  	[tilespmem:s2], [sflag:$0x1] =	stream.strided.gather [hbm4b:s3+s8], $0x1000, s9, s8, $0x38;
	[tilespmem:$0x2000] =	vst v63  }
0xe: {  	_ = 	snop  }
0xf: {  	[tilespmem:s10], [sflag:$0x2] =	stream.strided.gather [hbm4b:s4+s8], $0x1000, s9, s8, $0x38;
	[tilespmem:$0x2000] =	vst v63  }
0x10: {  	_ =	swait.ge [sflag:s11], $0x1000  }
0x11: {  	v6 =	vimm.f32 $-Inf;
	v8 =	vimm.f32 $+Inf;
	[sflag:s11] =	ssyncset.done $0x0  }
0x12: {  	s14 =	simm.s32 $0x0;
	v12 =	vimm.f32 $0.0e+00;
	v9 =	vimm.f32 $-Inf;
	v10 =	vimm.f32 $+Inf;
	[sflag:s11] =	ssyncadd.s32 $0xFFFFF000  }
0x13: {  	v11 =	vimm.f32 $-Inf;
	v13 =	vimm.f32 $+Inf;
	v15 =	vimm.f32 $-Inf;
	v5 =	vld [tilespmem:s14+$0x0]  }
0x14: {  	v18 =	vimm.f32 $+Inf;
	v14 =	vimm.f32 $-Inf;
	v25 =	vimm.f32 $+Inf;
	v16 =	vld [tilespmem:s14+$0x10]  }
0x15: {  	v26 =	vimm.f32 $-Inf;
	v22 =	vimm.f32 $+Inf;
	v19 =	vimm.f32 $-Inf;
	v32 =	vld [tilespmem:s14+$0x20]  }
0x16: {  	v20 =	vimm.f32 $+Inf;
	v30 =	vimm.f32 $0.0e+00;
	v27 =	vimm.f32 $0.0e+00;
	v17 =	vld [tilespmem:s14+$0x30]  }
0x17: {  	v28 =	vimm.f32 $0.0e+00;
	v21 =	vimm.f32 $0.0e+00;
	v29 =	vimm.f32 $0.0e+00;
	v31 =	vld [tilespmem:s14+$0x40]  }
0x18: {  	v23 =	vimm.f32 $0.0e+00;
	v24 =	vimm.f32 $0.0e+00;
	v33 =	vld [tilespmem:s14+$0x50];
	v7 =	vmul.f32 $1.442695020e+00, v5  }
0x19: {  	s15 =	simm.s32 $0x200;
	v34 =	vld [tilespmem:s14+$0x60];
	v4 =	vmax.f32 v6, v5;
	v5 =	vmin.f32 v8, v5;
	v35 =	vmul.f32 $1.442695020e+00, v16  }
.LBB2_2:
0x1a: {  	p0 =	sne.s32 s15, $0x3E00;
	v6 =	vmax.f32 v6, v16;
	v36 =	vmul.f32 $1.442695020e+00, v32;
	v37 =	vld [tilespmem:s14+$0x70];
	(erf) = vpow2.f32 v7  }
0x1b: {  	v8 =	vmin.f32 v8, v16;
	v7 =	vmul.f32 $1.442695020e+00, v17;
	(erf) = vpow2.f32 v35  }
0x1c: {  	v9 =	vmax.f32 v9, v32;
	v16 =	vmul.f32 $1.442695020e+00, v31;
	(erf) = vpow2.f32 v36  }
0x1d: {  	v10 =	vmin.f32 v10, v32;
	v32 =	vmul.f32 $1.442695020e+00, v33;
	(erf) = vpow2.f32 v7  }
0x1e: {  	v11 =	vmax.f32 v11, v17;
	v7 =	vmul.f32 $1.442695020e+00, v34;
	(erf) = vpow2.f32 v16  }
0x1f: {  	v13 =	vmin.f32 v13, v17;
	v16 =	vmul.f32 $1.442695020e+00, v37;
	(erf) = vpow2.f32 v32  }
0x20: {  	v15 =	vmax.f32 v15, v31;
	v18 =	vmin.f32 v18, v31;
	(erf) = vpow2.f32 v7  }
0x21: {  	v14 =	vmax.f32 v14, v33;
	v25 =	vmin.f32 v25, v33;
	(erf) = vpow2.f32 v16  }
0x22: {  	v26 =	vmax.f32 v26, v34;
	v22 =	vmin.f32 v22, v34;
	v19 =	vmax.f32 v19, v37  }
0x23: {  	v20 =	vmin.f32 v20, v37;
	v7 =	vpop (erf)  }
0x24: {  	s16 =	sshra.s32 s15, $0x2;
	[tilespmem:s14+$0x0] =	vst v7;
	v12 =	vadd.f32 v7, v12;
	v7 =	vpop (erf)  }
0x25: {  	v34 =	vld [tilespmem:s16+$0x0];
	[tilespmem:s14+$0x10] =	vst v7;
	v30 =	vadd.f32 v7, v30;
	v7 =	vpop (erf)  }
0x26: {  	v16 =	vld [tilespmem:s16+$0x10];
	[tilespmem:s14+$0x20] =	vst v7;
	v27 =	vadd.f32 v7, v27;
	v7 =	vpop (erf)  }
.Ltmp0:
0x27: {  	v32 =	vld [tilespmem:s16+$0x20];
	[tilespmem:s14+$0x30] =	vst v7;
	v28 =	vadd.f32 v7, v28;
	v7 =	vpop (erf);
	(pc) =	sbr.rel @p0 .LBB2_2-.Ltmp0, $4  }
0x28: {  	v17 =	vld [tilespmem:s16+$0x30];
	[tilespmem:s14+$0x40] =	vst v7;
	v21 =	vadd.f32 v7, v21;
	v7 =	vpop (erf)  }
0x29: {  	v31 =	vld [tilespmem:s16+$0x40];
	[tilespmem:s14+$0x50] =	vst v7;
	v29 =	vadd.f32 v7, v29;
	v35 =	vpop (erf)  }
0x2a: {  	v7 =	vmul.f32 $1.442695020e+00, v34;
	v4 =	vmax.f32 v4, v34;
	v33 =	vld [tilespmem:s16+$0x50];
	[tilespmem:s14+$0x60] =	vst v35;
	v23 =	vadd.f32 v35, v23;
	v36 =	vpop (erf)  }
0x2b: {  	s15 =	sadd.s32 $0x200, s15;
	v5 =	vmin.f32 v5, v34;
	v35 =	vmul.f32 $1.442695020e+00, v16;
	v34 =	vld [tilespmem:s16+$0x60];
	[tilespmem:s14+$0x70] =	vst v36;
	v24 =	vadd.f32 v36, v24;
	s14 =	smov.u32 s16  }
0x2c: {  	v36 =	vmul.f32 $1.442695020e+00, v32;
	v37 =	vld [tilespmem:s14+$0x70];
	(erf) = vpow2.f32 v7  }
0x2d: {  	v7 =	vmul.f32 $1.442695020e+00, v17;
	(erf) = vpow2.f32 v35  }
0x2e: {  	v59 =	vmul.f32 $1.442695020e+00, v31;
	(erf) = vpow2.f32 v36  }
0x2f: {  	v60 =	vmul.f32 $1.442695020e+00, v33;
	(erf) = vpow2.f32 v7  }
0x30: {  	v7 =	vmul.f32 $1.442695020e+00, v34;
	(erf) = vpow2.f32 v59  }
0x31: {  	v61 =	vmul.f32 $1.442695020e+00, v37;
	(erf) = vpow2.f32 v60  }
0x32: {  	(erf) = vpow2.f32 v7  }
0x33: {  	(erf) = vpow2.f32 v61;
	_ =	sdelay $0x1  }
0x34: {  	v62 =	vpop (erf)  }
0x35: {  	[tilespmem:s14+$0x0] =	vst v62;
	v63 =	vpop (erf)  }
0x36: {  	[tilespmem:s14+$0x10] =	vst v63;
	v38 =	vpop (erf)  }
0x37: {  	[tilespmem:s14+$0x20] =	vst v38;
	v39 =	vpop (erf)  }
0x38: {  	[tilespmem:s14+$0x30] =	vst v39;
	v40 =	vpop (erf)  }
0x39: {  	[tilespmem:s14+$0x40] =	vst v40;
	v41 =	vpop (erf)  }
0x3a: {  	[tilespmem:s14+$0x50] =	vst v41;
	v42 =	vpop (erf)  }
0x3b: {  	[tilespmem:s14+$0x60] =	vst v42;
	v43 =	vpop (erf)  }
0x3c: {  	[tilespmem:s14+$0x70] =	vst v43  }
0x3d: {  	_ =	swait.ge [sflag:s12], $0x1000  }
0x3e: {  	v8 =	vmin.f32 v8, v16;
	v9 =	vmax.f32 v9, v32;
	[sflag:s12] =	ssyncset.done $0x0  }
0x3f: {  	v10 =	vmin.f32 v10, v32;
	v11 =	vmax.f32 v11, v17;
	v19 =	vmax.f32 v19, v37;
	s14 =	simm.s32 $0x0;
	[sflag:s12] =	ssyncadd.s32 $0xFFFFF000  }
0x40: {  	v7 =	vmax.f32 v6, v16;
	v16 =	vmin.f32 v13, v17;
	v17 =	vmax.f32 v15, v31;
	v44 =	vld [tilespmem:s14+$0x1000]  }
0x41: {  	v13 =	vmin.f32 v18, v31;
	v18 =	vmax.f32 v14, v33;
	v14 =	vmin.f32 v25, v33;
	v32 =	vld [tilespmem:s14+$0x1010]  }
0x42: {  	v6 =	vmin.f32 v22, v34;
	v22 =	vadd.f32 v62, v12;
	v25 =	vadd.f32 v63, v30;
	v31 =	vld [tilespmem:s14+$0x1020]  }
0x43: {  	v15 =	vmax.f32 v26, v34;
	v26 =	vadd.f32 v38, v27;
	v27 =	vadd.f32 v39, v28;
	v30 =	vld [tilespmem:s14+$0x1030]  }
0x44: {  	v12 =	vmin.f32 v20, v37;
	v21 =	vadd.f32 v40, v21;
	v28 =	vadd.f32 v41, v29;
	v29 =	vld [tilespmem:s14+$0x1040]  }
0x45: {  	v23 =	vadd.f32 v42, v23;
	v24 =	vadd.f32 v43, v24;
	v33 =	vld [tilespmem:s14+$0x1050];
	v34 =	vmul.f32 $1.442695020e+00, v44  }
0x46: {  	s15 =	simm.s32 $0x200;
	v20 =	vmax.f32 v4, v44;
	v4 =	vmin.f32 v5, v44;
	v35 =	vmul.f32 $1.442695020e+00, v32;
	v5 =	vld [tilespmem:s14+$0x1060]  }
.LBB2_4:
0x47: {  	p0 =	sne.s32 s15, $0x3E00;
	v7 =	vmax.f32 v7, v32;
	v36 =	vmul.f32 $1.442695020e+00, v31;
	v37 =	vld [tilespmem:s14+$0x1070];
	(erf) = vpow2.f32 v34  }
0x48: {  	v8 =	vmin.f32 v8, v32;
	v32 =	vmul.f32 $1.442695020e+00, v30;
	(erf) = vpow2.f32 v35  }
0x49: {  	v9 =	vmax.f32 v9, v31;
	v34 =	vmul.f32 $1.442695020e+00, v29;
	(erf) = vpow2.f32 v36  }
0x4a: {  	v10 =	vmin.f32 v10, v31;
	v31 =	vmul.f32 $1.442695020e+00, v33;
	(erf) = vpow2.f32 v32  }
0x4b: {  	v11 =	vmax.f32 v11, v30;
	v32 =	vmul.f32 $1.442695020e+00, v5;
	(erf) = vpow2.f32 v34  }
0x4c: {  	v16 =	vmin.f32 v16, v30;
	v30 =	vmul.f32 $1.442695020e+00, v37;
	(erf) = vpow2.f32 v31  }
0x4d: {  	v17 =	vmax.f32 v17, v29;
	v13 =	vmin.f32 v13, v29;
	(erf) = vpow2.f32 v32  }
0x4e: {  	v18 =	vmax.f32 v18, v33;
	v14 =	vmin.f32 v14, v33;
	(erf) = vpow2.f32 v30  }
0x4f: {  	v15 =	vmax.f32 v15, v5;
	v6 =	vmin.f32 v6, v5;
	v19 =	vmax.f32 v19, v37  }
0x50: {  	v12 =	vmin.f32 v12, v37;
	v5 =	vpop (erf)  }
0x51: {  	s16 =	sshra.s32 s15, $0x2;
	[tilespmem:s14+$0x1000] =	vst v5;
	v22 =	vadd.f32 v5, v22;
	v5 =	vpop (erf)  }
0x52: {  	v35 =	vld [tilespmem:s16+$0x1000];
	[tilespmem:s14+$0x1010] =	vst v5;
	v25 =	vadd.f32 v5, v25;
	v5 =	vpop (erf)  }
0x53: {  	v32 =	vld [tilespmem:s16+$0x1010];
	[tilespmem:s14+$0x1020] =	vst v5;
	v26 =	vadd.f32 v5, v26;
	v5 =	vpop (erf)  }
.Ltmp1:
0x54: {  	v31 =	vld [tilespmem:s16+$0x1020];
	[tilespmem:s14+$0x1030] =	vst v5;
	v27 =	vadd.f32 v5, v27;
	v5 =	vpop (erf);
	(pc) =	sbr.rel @p0 .LBB2_4-.Ltmp1, $4  }
0x55: {  	v30 =	vld [tilespmem:s16+$0x1030];
	[tilespmem:s14+$0x1040] =	vst v5;
	v21 =	vadd.f32 v5, v21;
	v5 =	vpop (erf)  }
0x56: {  	v29 =	vld [tilespmem:s16+$0x1040];
	[tilespmem:s14+$0x1050] =	vst v5;
	v28 =	vadd.f32 v5, v28;
	v5 =	vpop (erf)  }
0x57: {  	v34 =	vmul.f32 $1.442695020e+00, v35;
	v20 =	vmax.f32 v20, v35;
	v33 =	vld [tilespmem:s16+$0x1050];
	[tilespmem:s14+$0x1060] =	vst v5;
	v23 =	vadd.f32 v5, v23;
	v36 =	vpop (erf)  }
0x58: {  	s15 =	sadd.s32 $0x200, s15;
	v4 =	vmin.f32 v4, v35;
	v35 =	vmul.f32 $1.442695020e+00, v32;
	v5 =	vld [tilespmem:s16+$0x1060];
	[tilespmem:s14+$0x1070] =	vst v36;
	v24 =	vadd.f32 v36, v24;
	s14 =	smov.u32 s16  }
0x59: {  	v36 =	vmul.f32 $1.442695020e+00, v31;
	v37 =	vld [tilespmem:s14+$0x1070];
	(erf) = vpow2.f32 v34  }
0x5a: {  	v56 =	vmul.f32 $1.442695020e+00, v30;
	(erf) = vpow2.f32 v35  }
0x5b: {  	v57 =	vmul.f32 $1.442695020e+00, v29;
	(erf) = vpow2.f32 v36  }
0x5c: {  	v58 =	vmul.f32 $1.442695020e+00, v33;
	(erf) = vpow2.f32 v56  }
0x5d: {  	v59 =	vmul.f32 $1.442695020e+00, v5;
	(erf) = vpow2.f32 v57  }
0x5e: {  	v60 =	vmul.f32 $1.442695020e+00, v37;
	(erf) = vpow2.f32 v58  }
0x5f: {  	(erf) = vpow2.f32 v59  }
0x60: {  	(erf) = vpow2.f32 v60;
	_ =	sdelay $0x1  }
0x61: {  	v61 =	vpop (erf)  }
0x62: {  	v62 =	vpop (erf)  }
0x63: {  	v63 =	vpop (erf)  }
0x64: {  	v38 =	vpop (erf)  }
0x65: {  	v39 =	vpop (erf)  }
0x66: {  	v22 =	vadd.f32 v61, v22;
	v25 =	vadd.f32 v62, v25;
	v40 =	vpop (erf)  }
0x67: {  	v26 =	vadd.f32 v63, v26;
	v27 =	vadd.f32 v38, v27;
	v41 =	vpop (erf)  }
0x68: {  	v21 =	vadd.f32 v39, v21;
	v28 =	vadd.f32 v40, v28;
	v42 =	vpop (erf)  }
0x69: {  	v23 =	vadd.f32 v41, v23;
	v24 =	vadd.f32 v42, v24  }
0x6a: {  	v22 =	vadd.f32 v25, v22;
	v25 =	vadd.f32 v27, v26  }
0x6b: {  	v21 =	vadd.f32 v28, v21;
	v23 =	vadd.f32 v24, v23;
	_ =	sdelay $0x1  }
0x6c: {  	v22 =	vadd.f32 v25, v22;
	v21 =	vadd.f32 v23, v21;
	_ =	sdelay $0x1  }
0x6d: {  	v21 =	vadd.f32 v21, v22;
	_ =	sdelay $0x1  }
0x6e: {  	v22 =	vperm.xlane v21, v0;
	_ =	sdelay $0x1  }
0x6f: {  	v21 =	vadd.f32 v22, v21;
	_ =	sdelay $0x1  }
0x70: {  	v22 =	vperm.xlane v21, v1;
	_ =	sdelay $0x1  }
0x71: {  	v21 =	vadd.f32 v22, v21;
	_ =	sdelay $0x1  }
0x72: {  	v22 =	vperm.xlane v21, v2;
	_ =	sdelay $0x1  }
0x73: {  	v21 =	vadd.f32 v22, v21;
	_ =	sdelay $0x1  }
0x74: {  	v22 =	vperm.xlane v21, v3;
	_ =	sdelay $0x1  }
0x75: {  	v7 =	vmax.f32 v7, v32;
	v8 =	vmin.f32 v8, v32;
	v21 =	vadd.f32 v22, v21  }
0x76: {  	v9 =	vmax.f32 v9, v31;
	v10 =	vmin.f32 v10, v31;
	v11 =	vmax.f32 v11, v30  }
0x77: {  	v16 =	vmin.f32 v16, v30;
	v7 =	vmax.f32 v20, v7;
	v22 =	vand.u32 $0x7FFFFF, v21  }
0x78: {  	v4 =	vmin.f32 v4, v8;
	v17 =	vmax.f32 v17, v29;
	v22 =	vor.u32 $0x3F800000, v22  }
0x79: {  	v13 =	vmin.f32 v13, v29;
	v9 =	vmax.f32 v9, v11;
	v22 =	vadd.f32 $-1.000000000e+00, v22  }
0x7a: {  	v18 =	vmax.f32 v18, v33;
	v15 =	vmax.f32 v15, v5;
	v19 =	vmax.f32 v19, v37  }
0x7b: {  	v11 =	vmax.f32 v17, v18;
	v15 =	vmax.f32 v15, v19;
	v17 =	vmul.f32 $-5.486285310e-02, v22  }
0x7c: {  	v5 =	vmin.f32 v6, v5;
	v6 =	vmax.f32 v7, v9;
	v7 =	vmax.f32 v11, v15  }
0x7d: {  	v8 =	vmin.f32 v10, v16;
	v6 =	vmax.f32 v6, v7;
	v7 =	vadd.f32 $2.164104430e-01, v17  }
0x7e: {  	v14 =	vmin.f32 v14, v33;
	v9 =	vmin.f32 v12, v37;
	v10 =	vperm.xlane v6, v0  }
0x7f: {  	v5 =	vmin.f32 v5, v9;
	v11 =	vmin.f32 v13, v14;
	v7 =	vmul.f32 v7, v22  }
0x80: {  	v4 =	vmin.f32 v4, v8;
	v5 =	vmin.f32 v11, v5;
	v6 =	vmax.f32 v6, v10  }
0x81: {  	v4 =	vmin.f32 v4, v5;
	v5 =	vperm.xlane v6, v1;
	v7 =	vadd.f32 $-4.640725850e-01, v7  }
0x82: {  	v8 =	vperm.xlane v4, v0  }
0x83: {  	v5 =	vmax.f32 v6, v5;
	v6 =	vmul.f32 v7, v22  }
0x84: {  	v4 =	vmin.f32 v4, v8;
	v8 =	vshrl.u32 v21, $0x17;
	v7 =	vperm.xlane v5, v2  }
0x85: {  	v9 =	vperm.xlane v4, v1;
	v8 =	vand.u32 $0xFF, v8;
	v6 =	vadd.f32 $9.954273100e-01, v6  }
0x86: {  	v5 =	vmax.f32 v5, v7;
	v7 =	vadd.s32 $0xFFFFFF81, v8  }
0x87: {  	v4 =	vmin.f32 v4, v9;
	v7 =	vcvt.s32.f32 v7;
	v6 =	vmul.f32 v6, v22  }
0x88: {  	v9 =	vperm.xlane v4, v2;
	v8 =	vperm.xlane v5, v3  }
0x89: {  	v7 =	vmul.f32 $6.931471820e-01, v7;
	v6 =	vadd.f32 $1.415121810e-04, v6  }
0x8a: {  	v5 =	vmax.f32 v5, v8;
	v8 =	vmin.f32 v4, v9  }
0x8b: {  	v4 =	vsub.f32 $0.0e+00, v5;
	v5 =	vperm.xlane v8, v3;
	v6 =	vadd.f32 v6, v7;
	_ =	sdelay $0x1  }
0x8c: {  	v4 =	vadd.f32 $-6.000000000e+00, v4;
	v5 =	vmin.f32 v8, v5;
	v7 =	vsub.f32 $4.158883090e+00, v6  }
0x8d: {  	v6 =	vsub.f32 $0.0e+00, v5  }
0x8e: {  	v5 =	vmax.f32 v4, v7  }
0x8f: {  	v5 =	vmin.f32 v6, v5  }
0x90: {  	v7 =	vsub.f32 $0.0e+00, v5  }
0x91: {  	[tilespmem:s14+$0x1000] =	vst v61  }
0x92: {  	[tilespmem:s14+$0x1010] =	vst v62;
	v7 =	vmul.f32 $1.442695020e+00, v7  }
0x93: {  	[tilespmem:s14+$0x1020] =	vst v63  }
0x94: {  	[tilespmem:s14+$0x1030] =	vst v38;
	(erf) = vpow2.f32 v7  }
0x95: {  	[tilespmem:s14+$0x1040] =	vst v39  }
0x96: {  	[tilespmem:s14+$0x1050] =	vst v40  }
0x97: {  	[tilespmem:s14+$0x1060] =	vst v41  }
0x98: {  	s30 =	simm.s32 $0x0;
	[tilespmem:s14+$0x1070] =	vst v42  }
0x99: {  	v8 =	vld [tilespmem:s30+$0x70]  }
0x9a: {  	v9 =	vld [tilespmem:s30+$0x40]  }
0x9b: {  	v10 =	vld [tilespmem:s30+$0x30];
	_ =	sdelay $0x1  }
0x9c: {  	v12 =	vld [tilespmem:s30+$0x20];
	v7 =	vpop (erf)  }
0x9d: {  	v13 =	vld [tilespmem:s30+$0x50];
	v11 =	vadd.f32 v8, v7  }
0x9e: {  	v16 =	vld [tilespmem:s30+$0x10];
	v14 =	vadd.f32 v9, v7  }
0x9f: {  	(erf) = vrcp.f32 v11;
	v11 =	vadd.f32 v10, v7  }
0xa0: {  	(erf) = vrcp.f32 v14  }
0xa1: {  	s31 =	simm.s32 $0x80;
	v17 =	vld [tilespmem:s30+$0x60];
	v14 =	vadd.f32 v12, v7;
	(erf) = vrcp.f32 v11  }
0xa2: {  	v25 =	vld [tilespmem:s31+$0x0];
	v15 =	vadd.f32 v13, v7  }
0xa3: {  	v22 =	vld [tilespmem:s31+$0x70];
	v18 =	vadd.f32 v16, v7;
	(erf) = vrcp.f32 v14  }
0xa4: {  	v11 =	vld [tilespmem:s30+$0x0];
	(erf) = vrcp.f32 v15  }
0xa5: {  	v21 =	vld [tilespmem:s31+$0x40];
	(erf) = vrcp.f32 v18  }
0xa6: {  	v14 =	vadd.f32 v17, v7  }
0xa7: {  	v31 =	vimm.f32 $0.0e+00  }
0xa8: {  	v32 =	vimm.f32 $0.0e+00;
	v33 =	vimm.f32 $0.0e+00;
	(erf) = vrcp.f32 v14;
	v15 =	vpop (erf)  }
0xa9: {  	v19 =	vld [tilespmem:s31+$0x30];
	v26 =	vadd.f32 v22, v7;
	v20 =	vadd.f32 v11, v7;
	v18 =	vmul.f32 v15, v8;
	v8 =	vpop (erf)  }
0xaa: {  	v23 =	vld [tilespmem:s31+$0x20];
	v30 =	vadd.f32 v21, v7;
	v38 =	vadd.f32 v25, v7;
	v9 =	vmul.f32 v8, v9;
	v24 =	vpop (erf)  }
0xab: {  	v14 =	vimm.f32 $0.0e+00;
	(erf) = vrcp.f32 v20;
	v27 =	vmul.f32 v24, v10  }
0xac: {  	v15 =	vld [tilespmem:s31+$0x50];
	v8 =	vadd.f32 v18, v14;
	v18 =	vmul.f32 v18, v18;
	v10 =	vpop (erf);
	v28 =	vmul.f32 v9, v9  }
0xad: {  	v29 =	vmul.f32 v10, v12;
	v9 =	vadd.f32 v9, v14;
	v10 =	vpop (erf);
	v34 =	vmul.f32 v27, v27  }
0xae: {  	v20 =	vld [tilespmem:s31+$0x10];
	v24 =	vmul.f32 v10, v13;
	v10 =	vpop (erf);
	v12 =	vadd.f32 v18, v14;
	(erf) = vrcp.f32 v26  }
0xaf: {  	v18 =	vadd.f32 v23, v7;
	v36 =	vmul.f32 v10, v16;
	v16 =	vadd.f32 v19, v7  }
0xb0: {  	v10 =	vld [tilespmem:s31+$0x60];
	v13 =	vadd.f32 v28, v14;
	(erf) = vrcp.f32 v30;
	v30 =	vmul.f32 v29, v29  }
0xb1: {  	v26 =	vadd.f32 v15, v7;
	v37 =	vmul.f32 v24, v24;
	v28 =	vpop (erf);
	(erf) = vrcp.f32 v16  }
0xb2: {  	v16 =	vadd.f32 v29, v14;
	v29 =	vimm.f32 $0.0e+00;
	v35 =	vmul.f32 v28, v17  }
0xb3: {  	v28 =	vadd.f32 v20, v7;
	(erf) = vrcp.f32 v18;
	v17 =	vadd.f32 v30, v14  }
0xb4: {  	v18 =	vadd.f32 v27, v14;
	v30 =	vimm.f32 $0.0e+00;
	v27 =	vimm.f32 $0.0e+00  }
0xb5: {  	(erf) = vrcp.f32 v26;
	v26 =	vimm.f32 $0.0e+00;
	v40 =	vadd.f32 v10, v7  }
0xb6: {  	s14 =	simm.s32 $0x400;
	(erf) = vrcp.f32 v28;
	v39 =	vmul.f32 v35, v35;
	v41 =	vpop (erf);
	v28 =	vimm.f32 $0.0e+00  }
.LBB2_6:
0xb7: {  	s15 =	sshra.s32 s14, $0x2;
	p0 =	sne.s32 s14, $0x7E00;
	s14 =	sadd.s32 $0x200, s14;
	v41 =	vmul.f32 v41, v11;
	v42 =	vmul.f32 v36, v36;
	v14 =	vadd.f32 v34, v14;
	v11 =	vmovc v25  }
0xb8: {  	v33 =	vadd.f32 v36, v33;
	v31 =	vadd.f32 v37, v31;
	v43 =	vld [tilespmem:s15+$0x70];
	(erf) = vrcp.f32 v40  }
0xb9: {  	v29 =	vadd.f32 v39, v29;
	v40 =	vld [tilespmem:s15+$0x60];
	v25 =	vpop (erf);
	v32 =	vadd.f32 v41, v32;
	v34 =	vmul.f32 v41, v41  }
0xba: {  	v30 =	vadd.f32 v24, v30;
	v26 =	vadd.f32 v42, v26;
	v37 =	vld [tilespmem:s15+$0x40];
	v22 =	vmul.f32 v25, v22;
	v25 =	vpop (erf)  }
0xbb: {  	v28 =	vadd.f32 v35, v28;
	v39 =	vld [tilespmem:s15+$0x30];
	v25 =	vmul.f32 v25, v21;
	v27 =	vadd.f32 v34, v27  }
0xbc: {  	v41 =	vld [tilespmem:s15+$0x50];
	v8 =	vadd.f32 v22, v8;
	v22 =	vmul.f32 v22, v22;
	(erf) = vrcp.f32 v38;
	v24 =	vpop (erf)  }
0xbd: {  	v38 =	vld [tilespmem:s15+$0x20];
	v35 =	vadd.f32 v43, v7;
	v42 =	vmul.f32 v24, v19;
	v19 =	vmul.f32 v25, v25;
	v24 =	vpop (erf)  }
0xbe: {  	v9 =	vadd.f32 v25, v9;
	v23 =	vmul.f32 v24, v23;
	v12 =	vadd.f32 v22, v12;
	v21 =	vpop (erf)  }
0xbf: {  	v44 =	vld [tilespmem:s15+$0x10];
	v45 =	vadd.f32 v37, v7;
	v34 =	vmul.f32 v42, v42;
	v24 =	vmul.f32 v21, v15;
	v15 =	vpop (erf)  }
0xc0: {  	v13 =	vadd.f32 v19, v13;
	v21 =	vmovc v37;
	v25 =	vld [tilespmem:s15+$0x0];
	(erf) = vrcp.f32 v35;
	v36 =	vmul.f32 v15, v20;
	v22 =	vmovc v43  }
0xc1: {  	v47 =	vadd.f32 v39, v7;
	(erf) = vrcp.f32 v45;
	v37 =	vmul.f32 v24, v24;
	v20 =	vpop (erf)  }
.Ltmp2:
0xc2: {  	v46 =	vmul.f32 v23, v23;
	v45 =	vadd.f32 v41, v7;
	v19 =	vmovc v39;
	v43 =	vadd.f32 v38, v7;
	(pc) =	sbr.rel @p0 .LBB2_6-.Ltmp2, $4  }
0xc3: {  	v16 =	vadd.f32 v23, v16;
	v15 =	vmovc v41;
	v35 =	vmul.f32 v20, v10;
	v10 =	vmovc v40;
	(erf) = vrcp.f32 v47  }
0xc4: {  	v17 =	vadd.f32 v46, v17;
	v23 =	vmovc v38;
	v39 =	vadd.f32 v44, v7;
	(erf) = vrcp.f32 v43;
	v20 =	vmovc v44  }
0xc5: {  	v18 =	vadd.f32 v42, v18;
	v38 =	vadd.f32 v25, v7;
	(erf) = vrcp.f32 v45;
	v41 =	vpop (erf)  }
0xc6: {  	v40 =	vadd.f32 v10, v7;
	(erf) = vrcp.f32 v39;
	v39 =	vmul.f32 v35, v35  }
0xc7: {  	v7 =	vmul.f32 v41, v11;
	v14 =	vadd.f32 v34, v14  }
0xc8: {  	v33 =	vadd.f32 v36, v33;
	v45 =	vmul.f32 v36, v36;
	(erf) = vrcp.f32 v40  }
0xc9: {  	v31 =	vadd.f32 v37, v31;
	v24 =	vadd.f32 v24, v30;
	(erf) = vrcp.f32 v38;
	v11 =	vpop (erf)  }
0xca: {  	v32 =	vadd.f32 v7, v32;
	v7 =	vmul.f32 v7, v7;
	v46 =	vpop (erf);
	v11 =	vmul.f32 v11, v22  }
0xcb: {  	v49 =	vadd.f32 v35, v28;
	v29 =	vadd.f32 v39, v29;
	v21 =	vmul.f32 v46, v21  }
0xcc: {  	v26 =	vadd.f32 v45, v26;
	v7 =	vadd.f32 v7, v27;
	v47 =	vpop (erf);
	v50 =	vmul.f32 v11, v11  }
0xcd: {  	v8 =	vadd.f32 v11, v8;
	v48 =	vpop (erf);
	v11 =	vmul.f32 v47, v19;
	v54 =	vmul.f32 v21, v21  }
0xce: {  	v9 =	vadd.f32 v21, v9;
	v51 =	vpop (erf);
	v52 =	vmul.f32 v48, v23;
	v12 =	vadd.f32 v50, v12  }
0xcf: {  	v53 =	vpop (erf);
	v15 =	vmul.f32 v51, v15;
	v18 =	vadd.f32 v11, v18;
	v11 =	vmul.f32 v11, v11  }
0xd0: {  	v13 =	vadd.f32 v54, v13;
	v20 =	vmul.f32 v53, v20;
	v56 =	vmul.f32 v52, v52  }
0xd1: {  	v16 =	vadd.f32 v52, v16;
	v55 =	vpop (erf);
	v61 =	vadd.f32 v15, v24;
	v15 =	vmul.f32 v15, v15  }
0xd2: {  	v11 =	vadd.f32 v11, v14;
	v57 =	vpop (erf);
	v10 =	vmul.f32 v55, v10;
	v17 =	vadd.f32 v56, v17  }
0xd3: {  	v59 =	vadd.f32 v20, v33;
	v16 =	vadd.f32 v18, v16;
	v58 =	vmul.f32 v57, v25  }
0xd4: {  	v9 =	vadd.f32 v61, v9;
	v62 =	vadd.f32 v10, v49;
	v10 =	vmul.f32 v10, v10  }
0xd5: {  	v14 =	vadd.f32 v15, v31;
	v60 =	vadd.f32 v58, v32;
	v15 =	vmul.f32 v58, v58  }
0xd6: {  	v63 =	vmul.f32 v20, v20;
	v8 =	vadd.f32 v8, v62;
	v10 =	vadd.f32 v10, v29  }
0xd7: {  	v21 =	vadd.f32 v59, v60;
	v7 =	vadd.f32 v15, v7  }
0xd8: {  	v8 =	vadd.f32 v8, v9;
	v9 =	vadd.f32 v63, v26  }
0xd9: {  	v10 =	vadd.f32 v12, v10;
	v16 =	vadd.f32 v16, v21  }
0xda: {  	v7 =	vadd.f32 v9, v7;
	v9 =	vadd.f32 v11, v17  }
0xdb: {  	v11 =	vadd.f32 v14, v13;
	v8 =	vadd.f32 v8, v16;
	_ =	sdelay $0x1  }
0xdc: {  	v7 =	vadd.f32 v9, v7;
	v9 =	vadd.f32 v10, v11;
	v12 =	vperm.xlane v8, v0;
	_ =	sdelay $0x1  }
0xdd: {  	v7 =	vadd.f32 v9, v7;
	v8 =	vadd.f32 v12, v8;
	_ =	sdelay $0x1  }
0xde: {  	v10 =	vperm.xlane v7, v0;
	v9 =	vperm.xlane v8, v1;
	_ =	sdelay $0x1  }
0xdf: {  	v7 =	vadd.f32 v10, v7;
	v8 =	vadd.f32 v9, v8;
	_ =	sdelay $0x1  }
0xe0: {  	v10 =	vperm.xlane v7, v1;
	v9 =	vperm.xlane v8, v2;
	_ =	sdelay $0x1  }
0xe1: {  	v7 =	vadd.f32 v10, v7;
	v8 =	vadd.f32 v9, v8;
	_ =	sdelay $0x1  }
0xe2: {  	v10 =	vperm.xlane v7, v2;
	v9 =	vperm.xlane v8, v3;
	_ =	sdelay $0x1  }
0xe3: {  	v7 =	vadd.f32 v10, v7;
	v8 =	vadd.f32 v9, v8;
	_ =	sdelay $0x1  }
0xe4: {  	v9 =	vperm.xlane v7, v3;
	v8 =	vadd.f32 $-6.400000000e+01, v8;
	_ =	sdelay $0x1  }
0xe5: {  	v7 =	vadd.f32 v9, v7;
	v10 =	vadd.f32 $6.400000000e+01, v8;
	_ =	sdelay $0x1  }
0xe6: {  	v7 =	vsub.f32 v10, v7;
	_ =	sdelay $0x1  }
0xe7: {  	(erf) = vrcp.f32 v7  }
0xe8: {  	vm0 =	vlt.f32 v8, $0.0e+00  }
0xe9: {  	v9 =	vsel vm0, $0x457C0000, v8;
	v7 =	vnsel vm0, $0xC2800000, v8  }
0xea: {  	v10 =	vsub.f32 v9, v7;
	_ =	sdelay $0x1  }
0xeb: {  	(erf) = vrcp.f32 v10;
	_ =	sdelay $0x3  }
0xec: {  	v10 =	vpop (erf)  }
0xed: {  	v4 =	vsel vm0, v5, v4;
	v6 =	vsel vm0, v6, v5;
	v8 =	vmul.f32 v10, v8  }
0xee: {  	v9 =	vmul.f32 v9, v4;
	v7 =	vmul.f32 v7, v6;
	_ =	sdelay $0x1  }
0xef: {  	v7 =	vsub.f32 v9, v7;
	v5 =	vsub.f32 v5, v8  }
0xf0: {  	v8 =	vpop (erf)  }
0xf1: {  	vm15 =	vge.f32 v5, v4;
	vm1 =	vle.f32 v5, v6;
	v7 =	vmul.f32 v8, v7  }
0xf2: {  	vm0 =	vmand vm15, vm1  }
0xf3: {  	v4 =	vsel vm0, v5, v7  }
0xf4: {  	v4 =	vsub.f32 $0.0e+00, v4;
	_ =	sdelay $0x1  }
0xf5: {  	v4 =	vmul.f32 $1.442695020e+00, v4;
	_ =	sdelay $0x1  }
0xf6: {  	(erf) = vpow2.f32 v4;
	_ =	sdelay $0x3  }
0xf7: {  	s14 =	simm.s32 $0x0  }
0xf8: {  	v10 =	vld [tilespmem:s14+$0x0]  }
0xf9: {  	v11 =	vld [tilespmem:s14+$0x10]  }
0xfa: {  	v9 =	vld [tilespmem:s14+$0x20]  }
0xfb: {  	v8 =	vld [tilespmem:s14+$0x30]  }
0xfc: {  	v7 =	vld [tilespmem:s14+$0x40];
	v4 =	vpop (erf)  }
0xfd: {  	v6 =	vld [tilespmem:s14+$0x50];
	v12 =	vadd.f32 v10, v4  }
0xfe: {  	s15 =	simm.s32 $0x200;
	v5 =	vld [tilespmem:s14+$0x60];
	v13 =	vadd.f32 v11, v4  }
.LBB2_8:
0xff: {  	p0 =	sne.s32 s15, $0x3E00;
	v14 =	vadd.f32 v9, v4;
	v15 =	vld [tilespmem:s14+$0x70];
	(erf) = vrcp.f32 v12  }
0x100: {  	v12 =	vadd.f32 v8, v4;
	(erf) = vrcp.f32 v13  }
0x101: {  	v13 =	vadd.f32 v7, v4;
	(erf) = vrcp.f32 v14  }
0x102: {  	v14 =	vadd.f32 v6, v4;
	(erf) = vrcp.f32 v12  }
0x103: {  	v12 =	vadd.f32 v5, v4;
	(erf) = vrcp.f32 v13  }
0x104: {  	v13 =	vadd.f32 v15, v4;
	(erf) = vrcp.f32 v14  }
0x105: {  	(erf) = vrcp.f32 v12  }
0x106: {  	(erf) = vrcp.f32 v13;
	_ =	sdelay $0x1  }
0x107: {  	v12 =	vpop (erf)  }
0x108: {  	v10 =	vmul.f32 v12, v10;
	v12 =	vpop (erf)  }
0x109: {  	v11 =	vmul.f32 v12, v11;
	v12 =	vpop (erf)  }
0x10a: {  	s16 =	sshra.s32 s15, $0x2;
	[tilespmem:s14+$0x0] =	vst v10;
	v9 =	vmul.f32 v12, v9;
	v12 =	vpop (erf)  }
0x10b: {  	v10 =	vld [tilespmem:s16+$0x0];
	[tilespmem:s14+$0x10] =	vst v11;
	v8 =	vmul.f32 v12, v8;
	v12 =	vpop (erf)  }
0x10c: {  	v11 =	vld [tilespmem:s16+$0x10];
	[tilespmem:s14+$0x20] =	vst v9;
	v7 =	vmul.f32 v12, v7;
	v12 =	vpop (erf)  }
.Ltmp3:
0x10d: {  	v9 =	vld [tilespmem:s16+$0x20];
	[tilespmem:s14+$0x30] =	vst v8;
	v6 =	vmul.f32 v12, v6;
	v12 =	vpop (erf);
	(pc) =	sbr.rel @p0 .LBB2_8-.Ltmp3, $4  }
0x10e: {  	v8 =	vld [tilespmem:s16+$0x30];
	[tilespmem:s14+$0x40] =	vst v7;
	v5 =	vmul.f32 v12, v5;
	v12 =	vpop (erf)  }
0x10f: {  	v7 =	vld [tilespmem:s16+$0x40];
	[tilespmem:s14+$0x50] =	vst v6;
	v14 =	vmul.f32 v12, v15  }
0x110: {  	v12 =	vadd.f32 v10, v4;
	v6 =	vld [tilespmem:s16+$0x50];
	[tilespmem:s14+$0x60] =	vst v5  }
0x111: {  	s15 =	sadd.s32 $0x200, s15;
	v13 =	vadd.f32 v11, v4;
	v5 =	vld [tilespmem:s16+$0x60];
	[tilespmem:s14+$0x70] =	vst v14;
	s14 =	smov.u32 s16  }
0x112: {  	(erf) = vrcp.f32 v12;
	_ =	sdelay $0x1  }
0x113: {  	v14 =	vadd.f32 v9, v4  }
0x114: {  	v12 =	vadd.f32 v8, v4;
	(erf) = vrcp.f32 v13  }
0x115: {  	v15 =	vld [tilespmem:s14+$0x70];
	v13 =	vadd.f32 v7, v4;
	(erf) = vrcp.f32 v14  }
0x116: {  	(erf) = vrcp.f32 v12;
	v12 =	vadd.f32 v5, v4  }
0x117: {  	v14 =	vadd.f32 v6, v4;
	(erf) = vrcp.f32 v13;
	_ =	sdelay $0x1  }
0x118: {  	(erf) = vrcp.f32 v14  }
0x119: {  	v13 =	vadd.f32 v15, v4;
	(erf) = vrcp.f32 v12;
	v12 =	vpop (erf)  }
0x11a: {  	v10 =	vmul.f32 v12, v10  }
0x11b: {  	(erf) = vrcp.f32 v13  }
0x11c: {  	v12 =	vpop (erf)  }
0x11d: {  	v11 =	vmul.f32 v12, v11;
	v12 =	vpop (erf)  }
0x11e: {  	[tilespmem:s14+$0x0] =	vst v10;
	v9 =	vmul.f32 v12, v9;
	v10 =	vpop (erf)  }
0x11f: {  	v8 =	vmul.f32 v10, v8;
	v10 =	vpop (erf)  }
0x120: {  	v7 =	vmul.f32 v10, v7  }
0x121: {  	[tilespmem:s14+$0x10] =	vst v11  }
0x122: {  	[tilespmem:s14+$0x20] =	vst v9;
	v9 =	vpop (erf)  }
0x123: {  	[tilespmem:s14+$0x30] =	vst v8;
	v6 =	vmul.f32 v9, v6;
	v8 =	vpop (erf)  }
0x124: {  	[tilespmem:s14+$0x40] =	vst v7;
	v5 =	vmul.f32 v8, v5;
	v7 =	vpop (erf)  }
0x125: {  	[tilespmem:s14+$0x50] =	vst v6;
	v6 =	vmul.f32 v7, v15  }
0x126: {  	[tilespmem:s14+$0x60] =	vst v5  }
0x127: {  	s31 =	simm.s32 $0x0;
	[tilespmem:s14+$0x70] =	vst v6;
	s14 =	simm.s32 $0x0  }
0x128: {  	[hbm4b:s5+s8] =	stream.strided.scatter [tilespmem:s31], [sflag:$0x1], $0x1000, s9, s8, $0x38;
	[tilespmem:$0x2000] =	vst v63  }
0x129: {  	v10 =	vld [tilespmem:s14+$0x1000]  }
0x12a: {  	v11 =	vld [tilespmem:s14+$0x1010]  }
0x12b: {  	v9 =	vld [tilespmem:s14+$0x1020]  }
0x12c: {  	v8 =	vld [tilespmem:s14+$0x1030]  }
0x12d: {  	v7 =	vld [tilespmem:s14+$0x1040]  }
0x12e: {  	v6 =	vld [tilespmem:s14+$0x1050];
	v12 =	vadd.f32 v10, v4  }
0x12f: {  	s15 =	simm.s32 $0x200;
	v5 =	vld [tilespmem:s14+$0x1060];
	v13 =	vadd.f32 v11, v4  }
.LBB2_10:
0x130: {  	p0 =	sne.s32 s15, $0x3E00;
	v14 =	vadd.f32 v9, v4;
	v15 =	vld [tilespmem:s14+$0x1070];
	(erf) = vrcp.f32 v12  }
0x131: {  	v12 =	vadd.f32 v8, v4;
	(erf) = vrcp.f32 v13  }
0x132: {  	v13 =	vadd.f32 v7, v4;
	(erf) = vrcp.f32 v14  }
0x133: {  	v14 =	vadd.f32 v6, v4;
	(erf) = vrcp.f32 v12  }
0x134: {  	v12 =	vadd.f32 v5, v4;
	(erf) = vrcp.f32 v13  }
0x135: {  	v13 =	vadd.f32 v15, v4;
	(erf) = vrcp.f32 v14  }
0x136: {  	(erf) = vrcp.f32 v12  }
0x137: {  	(erf) = vrcp.f32 v13;
	_ =	sdelay $0x1  }
0x138: {  	v12 =	vpop (erf)  }
0x139: {  	v10 =	vmul.f32 v12, v10;
	v12 =	vpop (erf)  }
0x13a: {  	v11 =	vmul.f32 v12, v11;
	v12 =	vpop (erf)  }
0x13b: {  	s16 =	sshra.s32 s15, $0x2;
	[tilespmem:s14+$0x1000] =	vst v10;
	v9 =	vmul.f32 v12, v9;
	v12 =	vpop (erf)  }
0x13c: {  	v10 =	vld [tilespmem:s16+$0x1000];
	[tilespmem:s14+$0x1010] =	vst v11;
	v8 =	vmul.f32 v12, v8;
	v12 =	vpop (erf)  }
0x13d: {  	v11 =	vld [tilespmem:s16+$0x1010];
	[tilespmem:s14+$0x1020] =	vst v9;
	v7 =	vmul.f32 v12, v7;
	v12 =	vpop (erf)  }
.Ltmp4:
0x13e: {  	v9 =	vld [tilespmem:s16+$0x1020];
	[tilespmem:s14+$0x1030] =	vst v8;
	v6 =	vmul.f32 v12, v6;
	v12 =	vpop (erf);
	(pc) =	sbr.rel @p0 .LBB2_10-.Ltmp4, $4  }
0x13f: {  	v8 =	vld [tilespmem:s16+$0x1030];
	[tilespmem:s14+$0x1040] =	vst v7;
	v5 =	vmul.f32 v12, v5;
	v12 =	vpop (erf)  }
0x140: {  	v7 =	vld [tilespmem:s16+$0x1040];
	[tilespmem:s14+$0x1050] =	vst v6;
	v14 =	vmul.f32 v12, v15  }
0x141: {  	v12 =	vadd.f32 v10, v4;
	v6 =	vld [tilespmem:s16+$0x1050];
	[tilespmem:s14+$0x1060] =	vst v5  }
0x142: {  	s15 =	sadd.s32 $0x200, s15;
	v13 =	vadd.f32 v11, v4;
	v5 =	vld [tilespmem:s16+$0x1060];
	[tilespmem:s14+$0x1070] =	vst v14;
	s14 =	smov.u32 s16  }
0x143: {  	v14 =	vadd.f32 v9, v4;
	v15 =	vld [tilespmem:s14+$0x1070];
	(erf) = vrcp.f32 v12  }
0x144: {  	v52 =	vadd.f32 v8, v4;
	(erf) = vrcp.f32 v13  }
0x145: {  	v53 =	vadd.f32 v7, v4;
	(erf) = vrcp.f32 v14  }
0x146: {  	v54 =	vadd.f32 v6, v4;
	(erf) = vrcp.f32 v52  }
0x147: {  	v55 =	vadd.f32 v5, v4;
	(erf) = vrcp.f32 v53  }
0x148: {  	v4 =	vadd.f32 v15, v4;
	(erf) = vrcp.f32 v54  }
0x149: {  	(erf) = vrcp.f32 v55  }
0x14a: {  	(erf) = vrcp.f32 v4;
	_ =	sdelay $0x1  }
0x14b: {  	v4 =	vpop (erf)  }
0x14c: {  	v4 =	vmul.f32 v4, v10;
	v56 =	vpop (erf)  }
0x14d: {  	v10 =	vmul.f32 v56, v11;
	v57 =	vpop (erf)  }
0x14e: {  	[tilespmem:s14+$0x1000] =	vst v4;
	v4 =	vmul.f32 v57, v9;
	v58 =	vpop (erf)  }
0x14f: {  	[tilespmem:s14+$0x1010] =	vst v10;
	v59 =	vmul.f32 v58, v8;
	v60 =	vpop (erf)  }
0x150: {  	[tilespmem:s14+$0x1020] =	vst v4;
	v4 =	vmul.f32 v60, v7;
	v61 =	vpop (erf)  }
0x151: {  	[tilespmem:s14+$0x1030] =	vst v59;
	v62 =	vmul.f32 v61, v6;
	v63 =	vpop (erf)  }
0x152: {  	[tilespmem:s14+$0x1040] =	vst v4;
	v4 =	vmul.f32 v63, v5;
	v5 =	vpop (erf)  }
0x153: {  	[tilespmem:s14+$0x1050] =	vst v62;
	v5 =	vmul.f32 v5, v15  }
0x154: {  	[tilespmem:s14+$0x1060] =	vst v4  }
0x155: {  	s13 =	sadd.s32 $0x1, s13;
	[tilespmem:s14+$0x1070] =	vst v5  }
0x156: {  	[hbm4b:s6+s8] =	stream.strided.scatter [tilespmem:s10], [sflag:$0x2], $0x1000, s9, s8, $0x38;
	[tilespmem:$0x2000] =	vst v63  }
0x157: {  	p0 =	sne.s32 s13, s7;
	_ =	swait.ge [sflag:s11], $0x1000  }
.Ltmp5:
0x158: {  	[sflag:s11] =	ssyncset.done $0x0;
	(pc) =	sbr.rel @p0 .LBB2_1-.Ltmp5, $4  }
0x159: {  	[sflag:s11] =	ssyncadd.s32 $0xFFFFF000  }
0x15a: {  	_ =	swait.ge [sflag:s12], $0x1000  }
0x15b: {  	[sflag:s12] =	ssyncset.done $0x0  }
0x15c: {  	[sflag:s12] =	ssyncadd.s32 $0xFFFFF000  }
0x15d: {  	_ =	sfence.sel $0x180000  }
0x15e: {  	[bflag:$0x0] =	sbarrier.arrive $0xFFFF  }
0x15f: {  	p0 =	sne.s32 s1, $0x0;
	_ =	strace $0x90000047  }
0x160: {  	s0 =	sadd.s32 @!p0 $0x100000, s0;
	[bflag:$0x2] =	sbarrier.arrive $0xFFFF  }
0x161: {  	[sflag:s0] =	ssyncadd.tile.s32 @!p0 $0x1;
	_ =	shalt  }
.Lfunc_end2:
_tile_overlayer_lowered:
.L_overlay_start_2:
0x162: {  	(tag) =	ssettag $0x2  }
0x163: {  	s0 =	rddreg [dreg:$0x0];
	s2 =	stileid.u32  }
0x164: {  	s1 =	rddreg [dreg:$0x1];
	p0 =	sne.s32 s2, $0x0  }
0x165: {  	s3 =	rddreg [dreg:$0x2];
	[bflag:$0x3] =	sbarrier.arrive $0xFFFF;
	s2 =	simm.s32 @!p0 $0x1C03  }
0x166: {  	[timem:s3], [sflag:s2] =	dma.local @!p0 [hbm:s0], s1  }
0x167: {  	s0 =	simm.s32 @!p0 $0x3  }
0x168: {  	_ =	swait.ge @!p0 [sflag:s0], s1  }
0x169: {  	s1 =	ssub.s32 @!p0 $0x0, s1;
	[sflag:s0] =	ssyncset.done @!p0 $0x0  }
0x16a: {  	[sflag:s0] =	ssyncadd.s32 @!p0 s1  }
0x16b: {  	[bflag:$0x3] =	sbarrier.arrive $0xFFFF  }
0x16c: {  	_ =	shalt  }

</sc_bundles>
